<compile_context>
chip_gen: v7x
topology: tpu7x:2x2x1
jax: 0.10.2.dev20260603
libtpu: 0.0.44.dev20260713+nightly
codegen_flags: <defaults>
</compile_context>

<pallas_src>
import functools

import jax
import jax.numpy as jnp
from jax import lax
from jax.experimental import pallas as pl
from jax.experimental.pallas import tpu as pltpu
from jax.experimental.pallas import tpu_sc as plsc

TM = 512
KC = 2048
TM2 = 1024


def _search_body(x_ref, win_ref, bin_ref, cb_ref, cbsq_ref, z_ref, idx_ref):
    z = lax.dot_general(
        x_ref[...].astype(jnp.bfloat16), win_ref[...],
        (((1,), (1,)), ((), ())),
        preferred_element_type=jnp.float32)
    z = z + bin_ref[...]
    z_ref[...] = z
    z2b = (z + z).astype(jnp.bfloat16)
    t = z * z
    w = t.shape[1] // 2
    while w >= 1:
        t = t[:, :w] + t[:, w:2 * w]
        w //= 2
    z_sq = t

    k_total = cb_ref.shape[0]
    n_lane = 128
    n_grp = KC // n_lane
    lane = lax.broadcasted_iota(jnp.int32, (TM, n_lane), 1).astype(jnp.float32)
    run_min = jnp.full((TM, 1), jnp.inf, dtype=jnp.float32)
    run_idx = jnp.zeros((TM, 1), dtype=jnp.int32)
    for c in range(k_total // KC):
        cb_c = cb_ref[c * KC:(c + 1) * KC, :]
        s2 = lax.dot_general(
            z2b, cb_c, (((1,), (1,)), ((), ())),
            preferred_element_type=jnp.float32)
        d = (z_sq - s2) + cbsq_ref[:, c * KC:(c + 1) * KC]
        va = d[:, 0:n_lane]
        ga = jnp.zeros((TM, n_lane), dtype=jnp.float32)
        for g in range(1, n_grp):
            dg = d[:, g * n_lane:(g + 1) * n_lane]
            lt = dg < va
            ga = jnp.where(lt, jnp.float32(g), ga)
            va = jnp.minimum(va, dg)
        m = jnp.min(va, axis=1, keepdims=True)
        jl = ga * jnp.float32(n_lane) + lane
        i_f = jnp.min(jnp.where(va == m, jl, jnp.float32(1e9)),
                      axis=1, keepdims=True)
        i = i_f.astype(jnp.int32) + c * KC
        better = m < run_min
        run_idx = jnp.where(better, i, run_idx)
        u = lax.bitcast_convert_type(m, jnp.uint32)
        u = (u + jnp.uint32(0x7FFF) + ((u >> 16) & jnp.uint32(1))) \
            & jnp.uint32(0xFFFF0000)
        mq = lax.bitcast_convert_type(u, jnp.float32)
        run_min = jnp.where(better, mq, run_min)
    idx_ref[...] = run_idx


def _out_body(zq_ref, z_ref, wout_ref, bout_ref, out_ref, loss_ref, acc_ref):
    step = pl.program_id(0)
    code_dim = z_ref.shape[1]
    zq = zq_ref[:, :code_dim]
    z = z_ref[...]
    out_ref[...] = lax.dot_general(
        zq.astype(jnp.bfloat16), wout_ref[...], (((1,), (1,)), ((), ())),
        preferred_element_type=jnp.float32) + bout_ref[...]
    dot = jnp.sum(z * zq, axis=1)
    nz = jnp.sqrt(jnp.sum(z * z, axis=1))
    nq = jnp.sqrt(jnp.sum(zq * zq, axis=1))
    sim = dot / (nz * nq + 1e-3)
    part = jnp.sum(1.0 - sim)

    @pl.when(step == 0)
    def _():
        acc_ref[0] = 0.0

    acc_ref[0] += part

    @pl.when(step == pl.num_programs(0) - 1)
    def _():
        loss_ref[0, 0] = acc_ref[0] / (pl.num_programs(0) * zq_ref.shape[0])


def _sc_gather(codebook, idx):
    k_total, code_dim = codebook.shape
    n = idx.shape[0]
    num_cores, num_subcores = 2, 16
    nw = num_cores * num_subcores
    bpw = n // nw
    ch = 128
    mesh = plsc.VectorSubcoreMesh(core_axis_name="c", subcore_axis_name="s")

    @functools.partial(
        pl.kernel, mesh=mesh,
        out_type=jax.ShapeDtypeStruct((n, code_dim), jnp.float32),
        scratch_types=[
            pltpu.VMEM((bpw,), jnp.int32),
            pltpu.VMEM((bpw, code_dim), jnp.float32),
            pltpu.SemaphoreType.DMA,
        ],
    )
    def gk(table_hbm, idx_hbm, out_hbm, idx_v, rows_v, sem):
        wid = lax.axis_index("s") * num_cores + lax.axis_index("c")
        base = wid * bpw
        pltpu.sync_copy(idx_hbm.at[pl.ds(base, bpw)], idx_v)
        copies = [
            pltpu.async_copy(table_hbm.at[idx_v.at[pl.ds(k * ch, ch)]],
                             rows_v.at[pl.ds(k * ch, ch)], sem)
            for k in range(bpw // ch)
        ]
        for cp in copies:
            cp.wait()
        pltpu.sync_copy(rows_v, out_hbm.at[pl.ds(base, bpw)])

    return gk(codebook, idx)


def _search_call(xb, Wb, b_in2, cb16, cbsq2):
    n, token_dim = xb.shape
    code_dim = Wb.shape[0]
    grid = n // TM
    return pl.pallas_call(
        _search_body,
        grid=(grid,),
        in_specs=[
            pl.BlockSpec((TM, token_dim), lambda i: (i, 0)),
            pl.BlockSpec((code_dim, token_dim), lambda i: (0, 0)),
            pl.BlockSpec((1, code_dim), lambda i: (0, 0)),
            pl.BlockSpec(cb16.shape, lambda i: (0, 0)),
            pl.BlockSpec(cbsq2.shape, lambda i: (0, 0)),
        ],
        out_specs=[
            pl.BlockSpec((TM, code_dim), lambda i: (i, 0)),
            pl.BlockSpec((TM, 1), lambda i: (i, 0)),
        ],
        out_shape=[
            jax.ShapeDtypeStruct((n, code_dim), jnp.float32),
            jax.ShapeDtypeStruct((n, 1), jnp.int32),
        ],
    )(xb, Wb, b_in2, cb16, cbsq2)


def _out_call(zq, z, W_out, b_out2):
    n, code_dim = z.shape
    token_dim = W_out.shape[0]
    grid = n // TM2
    return pl.pallas_call(
        _out_body,
        grid=(grid,),
        in_specs=[
            pl.BlockSpec((TM2, zq.shape[1]), lambda i: (i, 0)),
            pl.BlockSpec((TM2, code_dim), lambda i: (i, 0)),
            pl.BlockSpec((token_dim, code_dim), lambda i: (0, 0)),
            pl.BlockSpec((1, token_dim), lambda i: (0, 0)),
        ],
        out_specs=[
            pl.BlockSpec((TM2, token_dim), lambda i: (i, 0)),
            pl.BlockSpec(memory_space=pltpu.SMEM),
        ],
        out_shape=[
            jax.ShapeDtypeStruct((n, token_dim), jnp.float32),
            jax.ShapeDtypeStruct((1, 1), jnp.float32),
        ],
        scratch_shapes=[pltpu.SMEM((1,), jnp.float32)],
    )(zq, z, W_out, b_out2)


def kernel(x, W_in, b_in, W_out, b_out, codebook):
    b, s, token_dim = x.shape
    n = b * s
    xf = x.reshape(n, token_dim)
    cbsq = jnp.sum(codebook * codebook, axis=-1).reshape(1, -1)
    z, idx2 = _search_call(
        xf, W_in.astype(jnp.bfloat16),
        b_in.reshape(1, -1), codebook.astype(jnp.bfloat16), cbsq)
    code_dim = codebook.shape[1]
    cb_pad = jnp.pad(codebook, ((0, 0), (0, 128 - code_dim)))
    zq = _sc_gather(cb_pad, idx2.reshape(n))
    out_f, loss = _out_call(zq, z, W_out.astype(jnp.bfloat16),
                            b_out.reshape(1, -1))
    return out_f.reshape(b, s, token_dim), loss[0, 0]

# --- scband reference (transcript-rebuilt; emitter-appended) ---
"""Pipeline reference for scband-vq-split-70360154243692 (READ-ONLY COPY).

The authoritative reference and input builder live on the scoring server;
editing this copy changes nothing except your own understanding.
"""

import jax, jax.numpy as jnp
import numpy as np

TOKEN_DIM = 768
CODE_DIM = 64
CODEBOOK_SIZE = 8192
B, S = 8, 1024


def setup_inputs(seed: int = 0) -> dict:
    key = jax.random.key(seed)
    ks = jax.random.split(key, 6)
    x = jax.random.normal(ks[0], (B, S, TOKEN_DIM), dtype=jnp.float32)
    W_in = jax.random.normal(ks[1], (CODE_DIM, TOKEN_DIM), dtype=jnp.float32) * (1.0 / np.sqrt(TOKEN_DIM))
    b_in = jnp.zeros((CODE_DIM,), dtype=jnp.float32)
    W_out = jax.random.normal(ks[2], (TOKEN_DIM, CODE_DIM), dtype=jnp.float32) * (1.0 / np.sqrt(CODE_DIM))
    b_out = jnp.zeros((TOKEN_DIM,), dtype=jnp.float32)
    codebook = jax.random.normal(ks[3], (CODEBOOK_SIZE, CODE_DIM), dtype=jnp.float32)
    return {"x": x, "W_in": W_in, "b_in": b_in, "W_out": W_out, "b_out": b_out, "codebook": codebook}


def reference(x, W_in, b_in, W_out, b_out, codebook):
    # in_proj: token_dim -> code_dim
    z = jnp.einsum('bsd,cd->bsc', x, W_in) + b_in
    flat = z.reshape(-1, z.shape[-1])  # [N, code_dim]
    # L2 nearest-neighbor lookup against codebook [K, code_dim]
    d = (flat * flat).sum(axis=-1, keepdims=True) \
        - 2.0 * flat @ codebook.T \
        + (codebook * codebook).sum(axis=-1)[None, :]
    idx = jnp.argmin(d, axis=-1)  # [N]
    z_q = jnp.take(codebook, idx, axis=0)  # gather codebook rows
    # commitment loss via cosine similarity (CosineLoss with target=1)
    eps = 1e-3
    zq_sg = jax.lax.stop_gradient(z_q)
    dot = (flat * zq_sg).sum(axis=-1)
    sim = dot / (jnp.linalg.norm(flat, axis=-1) * jnp.linalg.norm(zq_sg, axis=-1) + eps)
    L_comm = (1.0 - sim).sum() / sim.shape[0]
    # straight-through estimator
    z_st = flat + jax.lax.stop_gradient(z_q - flat)
    # out_proj: code_dim -> token_dim
    out = z_st @ W_out.T + b_out
    out = out.reshape(x.shape[0], x.shape[1], -1)
    return out, L_comm

if __name__ == "__main__":
    import jax
    _d = setup_inputs()
    print(jax.jit(kernel)(*tuple(_d.values())))

</pallas_src>

<mosaic_0001>
#map = affine_map<(d0, d1) -> (0, 0)>
#map1 = affine_map<(d0, d1) -> (0)>
module attributes {stable_mosaic.version = 14 : i64} {
  func.func @gk(%arg0: i32, %arg1: i32, %arg2: memref<8192x128xf32, #tpu.memory_space<hbm>>, %arg3: memref<8192xi32, #tpu.memory_space<hbm>>, %arg4: memref<8192x128xf32, #tpu.memory_space<hbm>>, %arg5: memref<256xi32, #tpu.memory_space<vmem>>, %arg6: memref<256x128xf32, #tpu.memory_space<vmem>>, %arg7: memref<!tpu.dma_semaphore, #tpu.memory_space<semaphore_mem>>) attributes {dimension_semantics = [#tpu.dimension_semantics<core_parallel>, #tpu.dimension_semantics<subcore_parallel>], iteration_bounds = array<i64: 2, 16>, scalar_prefetch = 0 : i64, scratch_operands = 3 : i64, tpu.core_type = #tpu.core_type<sc_vector_subcore>, window_params = [{transform_indices = #map}, {transform_indices = #map1}, {transform_indices = #map}]} {
    %mul3A = arith.constant 2 : i32
    %mul3A_0 = arith.muli %arg1, %mul3A : i32
    %add3A = arith.addi %mul3A_0, %arg0 : i32
    %mul3A_1 = arith.constant 256 : i32
    %mul3A_2 = arith.muli %add3A, %mul3A_1 : i32
    "tpu.region"() ({
      %run_scoped3A = tpu.sem_alloc : memref<!tpu.dma_semaphore, #tpu.memory_space<semaphore_mem>>
      %dma_start3A_33 = tpu.memref_slice %arg3[%mul3A_2] : memref<8192xi32, #tpu.memory_space<hbm>> -> memref<256xi32, #tpu.memory_space<hbm>>
      %dma_start3A_34 = tpu.memref_slice %arg3[%mul3A_2] : memref<8192xi32, #tpu.memory_space<hbm>> -> memref<256xi32, #tpu.memory_space<hbm>>
      tpu.enqueue_dma source(%dma_start3A_34 : memref<256xi32, #tpu.memory_space<hbm>>) target(%arg5 : memref<256xi32, #tpu.memory_space<vmem>>) target_semaphore(%run_scoped3A : memref<!tpu.dma_semaphore, #tpu.memory_space<semaphore_mem>>)
      %dma_wait3A_35 = tpu.memref_slice %arg3[%mul3A_2] : memref<8192xi32, #tpu.memory_space<hbm>> -> memref<256xi32, #tpu.memory_space<hbm>>
      %dma_wait3A_36 = tpu.memref_slice %arg3[%mul3A_2] : memref<8192xi32, #tpu.memory_space<hbm>> -> memref<256xi32, #tpu.memory_space<hbm>>
      tpu.wait_dma2 semaphore(%run_scoped3A : memref<!tpu.dma_semaphore, #tpu.memory_space<semaphore_mem>>) src(%dma_wait3A_36 : memref<256xi32, #tpu.memory_space<hbm>>) dst(%arg5 : memref<256xi32, #tpu.memory_space<vmem>>)
      tpu.yield
    }) : () -> ()
    %dma_start3A = arith.constant 0 : i32
    %dma_start3A_3 = arith.constant 0 : i32
    %dma_start3A_4 = tpu.memref_slice %arg6[%dma_start3A, %dma_start3A_3] : memref<256x128xf32, #tpu.memory_space<vmem>> -> memref<128x128xf32, #tpu.memory_space<vmem>>
    %dma_start3A_5 = arith.constant 0 : i32
    %dma_start3A_6 = tpu.memref_slice %arg5[%dma_start3A_5] : memref<256xi32, #tpu.memory_space<vmem>> -> memref<128xi32, #tpu.memory_space<vmem>>
    %dma_start3A_7 = arith.constant 0 : i32
    %dma_start3A_8 = arith.constant 0 : i32
    %dma_start3A_9 = tpu.memref_slice %arg2[%dma_start3A_7, %dma_start3A_8] : memref<8192x128xf32, #tpu.memory_space<hbm>> -> memref<8192x128xf32, #tpu.memory_space<hbm>>
    tpu.enqueue_indirect_dma source(%dma_start3A_9 : memref<8192x128xf32, #tpu.memory_space<hbm>>) target(%dma_start3A_4 : memref<128x128xf32, #tpu.memory_space<vmem>>) offsets(%dma_start3A_6 : memref<128xi32, #tpu.memory_space<vmem>>) semaphore(%arg7 : memref<!tpu.dma_semaphore, #tpu.memory_space<semaphore_mem>>)
    %dma_start3A_10 = arith.constant 128 : i32
    %dma_start3A_11 = arith.constant 0 : i32
    %dma_start3A_12 = tpu.memref_slice %arg6[%dma_start3A_10, %dma_start3A_11] : memref<256x128xf32, #tpu.memory_space<vmem>> -> memref<128x128xf32, #tpu.memory_space<vmem>>
    %dma_start3A_13 = arith.constant 128 : i32
    %dma_start3A_14 = tpu.memref_slice %arg5[%dma_start3A_13] : memref<256xi32, #tpu.memory_space<vmem>> -> memref<128xi32, #tpu.memory_space<vmem>>
    %dma_start3A_15 = arith.constant 0 : i32
    %dma_start3A_16 = arith.constant 0 : i32
    %dma_start3A_17 = tpu.memref_slice %arg2[%dma_start3A_15, %dma_start3A_16] : memref<8192x128xf32, #tpu.memory_space<hbm>> -> memref<8192x128xf32, #tpu.memory_space<hbm>>
    tpu.enqueue_indirect_dma source(%dma_start3A_17 : memref<8192x128xf32, #tpu.memory_space<hbm>>) target(%dma_start3A_12 : memref<128x128xf32, #tpu.memory_space<vmem>>) offsets(%dma_start3A_14 : memref<128xi32, #tpu.memory_space<vmem>>) semaphore(%arg7 : memref<!tpu.dma_semaphore, #tpu.memory_space<semaphore_mem>>)
    %dma_wait3A = arith.constant 0 : i32
    %dma_wait3A_18 = arith.constant 0 : i32
    %dma_wait3A_19 = tpu.memref_slice %arg6[%dma_wait3A, %dma_wait3A_18] : memref<256x128xf32, #tpu.memory_space<vmem>> -> memref<128x128xf32, #tpu.memory_space<vmem>>
    %dma_wait3A_20 = arith.constant 0 : i32
    %dma_wait3A_21 = tpu.memref_slice %arg5[%dma_wait3A_20] : memref<256xi32, #tpu.memory_space<vmem>> -> memref<128xi32, #tpu.memory_space<vmem>>
    %dma_wait3A_22 = arith.constant 0 : i32
    %dma_wait3A_23 = arith.constant 0 : i32
    %dma_wait3A_24 = tpu.memref_slice %arg2[%dma_wait3A_22, %dma_wait3A_23] : memref<8192x128xf32, #tpu.memory_space<hbm>> -> memref<8192x128xf32, #tpu.memory_space<hbm>>
    tpu.wait_indirect_dma semaphore(%arg7 : memref<!tpu.dma_semaphore, #tpu.memory_space<semaphore_mem>>) src(%dma_wait3A_24 : memref<8192x128xf32, #tpu.memory_space<hbm>>) dst(%dma_wait3A_19 : memref<128x128xf32, #tpu.memory_space<vmem>>)
    %dma_wait3A_25 = arith.constant 128 : i32
    %dma_wait3A_26 = arith.constant 0 : i32
    %dma_wait3A_27 = tpu.memref_slice %arg6[%dma_wait3A_25, %dma_wait3A_26] : memref<256x128xf32, #tpu.memory_space<vmem>> -> memref<128x128xf32, #tpu.memory_space<vmem>>
    %dma_wait3A_28 = arith.constant 128 : i32
    %dma_wait3A_29 = tpu.memref_slice %arg5[%dma_wait3A_28] : memref<256xi32, #tpu.memory_space<vmem>> -> memref<128xi32, #tpu.memory_space<vmem>>
    %dma_wait3A_30 = arith.constant 0 : i32
    %dma_wait3A_31 = arith.constant 0 : i32
    %dma_wait3A_32 = tpu.memref_slice %arg2[%dma_wait3A_30, %dma_wait3A_31] : memref<8192x128xf32, #tpu.memory_space<hbm>> -> memref<8192x128xf32, #tpu.memory_space<hbm>>
    tpu.wait_indirect_dma semaphore(%arg7 : memref<!tpu.dma_semaphore, #tpu.memory_space<semaphore_mem>>) src(%dma_wait3A_32 : memref<8192x128xf32, #tpu.memory_space<hbm>>) dst(%dma_wait3A_27 : memref<128x128xf32, #tpu.memory_space<vmem>>)
    "tpu.region"() ({
      %run_scoped3A = tpu.sem_alloc : memref<!tpu.dma_semaphore, #tpu.memory_space<semaphore_mem>>
      %dma_start3A_33 = arith.constant 0 : i32
      %dma_start3A_34 = tpu.memref_slice %arg4[%mul3A_2, %dma_start3A_33] : memref<8192x128xf32, #tpu.memory_space<hbm>> -> memref<256x128xf32, #tpu.memory_space<hbm>>
      %dma_start3A_35 = arith.constant 0 : i32
      %dma_start3A_36 = tpu.memref_slice %arg4[%mul3A_2, %dma_start3A_35] : memref<8192x128xf32, #tpu.memory_space<hbm>> -> memref<256x128xf32, #tpu.memory_space<hbm>>
      tpu.enqueue_dma source(%arg6 : memref<256x128xf32, #tpu.memory_space<vmem>>) target(%dma_start3A_36 : memref<256x128xf32, #tpu.memory_space<hbm>>) target_semaphore(%run_scoped3A : memref<!tpu.dma_semaphore, #tpu.memory_space<semaphore_mem>>)
      %dma_wait3A_37 = arith.constant 0 : i32
      %dma_wait3A_38 = tpu.memref_slice %arg4[%mul3A_2, %dma_wait3A_37] : memref<8192x128xf32, #tpu.memory_space<hbm>> -> memref<256x128xf32, #tpu.memory_space<hbm>>
      %dma_wait3A_39 = arith.constant 0 : i32
      %dma_wait3A_40 = tpu.memref_slice %arg4[%mul3A_2, %dma_wait3A_39] : memref<8192x128xf32, #tpu.memory_space<hbm>> -> memref<256x128xf32, #tpu.memory_space<hbm>>
      tpu.wait_dma2 semaphore(%run_scoped3A : memref<!tpu.dma_semaphore, #tpu.memory_space<semaphore_mem>>) src(%arg6 : memref<256x128xf32, #tpu.memory_space<vmem>>) dst(%dma_wait3A_40 : memref<256x128xf32, #tpu.memory_space<hbm>>)
      tpu.yield
    }) : () -> ()
    return
  }
}

module attributes {stable_mosaic.version = 14 : i64} {
  func.func @_search_body(%arg0: i32, %arg1: memref<512x768xf32, #tpu.memory_space<vmem>>, %arg2: memref<64x768xbf16, #tpu.memory_space<vmem>>, %arg3: memref<1x64xf32, #tpu.memory_space<vmem>>, %arg4: memref<8192x64xbf16, #tpu.memory_space<vmem>>, %arg5: memref<1x8192xf32, #tpu.memory_space<vmem>>, %arg6: memref<512x64xf32, #tpu.memory_space<vmem>>, %arg7: memref<512x1xi32, #tpu.memory_space<vmem>>) attributes {dimension_semantics = [#tpu.dimension_semantics<arbitrary>], iteration_bounds = array<i64: 16>, scalar_prefetch = 0 : i64, scratch_operands = 0 : i64, tpu.core_type = #tpu.core_type<tc>, window_params = [{transform_indices = @transform_0, window_bounds = array<i64: 512, 768>}, {pipeline_mode = #tpu.pipeline_mode<synchronous>, transform_indices = @transform_1, window_bounds = array<i64: 64, 768>}, {pipeline_mode = #tpu.pipeline_mode<synchronous>, transform_indices = @transform_2, window_bounds = array<i64: 1, 64>}, {pipeline_mode = #tpu.pipeline_mode<synchronous>, transform_indices = @transform_3, window_bounds = array<i64: 8192, 64>}, {pipeline_mode = #tpu.pipeline_mode<synchronous>, transform_indices = @transform_4, window_bounds = array<i64: 1, 8192>}, {transform_indices = @transform_5, window_bounds = array<i64: 512, 64>}, {transform_indices = @transform_6, window_bounds = array<i64: 512, 1>}]} {
    %get3A = arith.constant 0 : index
    %get3A_0 = arith.constant 0 : index
    %get3A_1 = vector.load %arg1[%get3A, %get3A_0] : memref<512x768xf32, #tpu.memory_space<vmem>>, vector<512x768xf32>
    %convert_element_type3A = arith.truncf %get3A_1 : vector<512x768xf32> to vector<512x768xbf16>
    %get3A_2 = arith.constant 0 : index
    %get3A_3 = arith.constant 0 : index
    %get3A_4 = vector.load %arg2[%get3A_2, %get3A_3] : memref<64x768xbf16, #tpu.memory_space<vmem>>, vector<64x768xbf16>
    %dot_general3A = arith.constant dense<0.000000e+00> : vector<512x64xf32>
    %dot_general3A_5 = tpu.matmul %convert_element_type3A, %get3A_4, %dot_general3A {dimension_numbers = #tpu.dot_dimension_numbers<[1], [1], [0], [0], [0, 0, 1, 0], [], []>, transpose_lhs_hint = false} : vector<512x768xbf16>, vector<64x768xbf16>, vector<512x64xf32> -> vector<512x64xf32>
    %get3A_6 = arith.constant 0 : index
    %get3A_7 = arith.constant 0 : index
    %get3A_8 = vector.load %arg3[%get3A_6, %get3A_7] : memref<1x64xf32, #tpu.memory_space<vmem>>, vector<1x64xf32>
    %add3A = vector.broadcast %get3A_8 : vector<1x64xf32> to vector<512x64xf32>
    %add3A_9 = arith.addf %dot_general3A_5, %add3A : vector<512x64xf32>
    %swap3A = arith.constant 0 : index
    %swap3A_10 = arith.constant 0 : index
    %swap3A_11 = vector.load %arg6[%swap3A, %swap3A_10] : memref<512x64xf32, #tpu.memory_space<vmem>>, vector<512x64xf32>
    tpu.vector_store %arg6[%swap3A, %swap3A_10], %add3A_9 {strides = array<i32>} : memref<512x64xf32, #tpu.memory_space<vmem>>, vector<512x64xf32>,
    %add3A_12 = arith.addf %add3A_9, %add3A_9 : vector<512x64xf32>
    %convert_element_type3A_13 = arith.truncf %add3A_12 : vector<512x64xf32> to vector<512x64xbf16>
    %mul3A = arith.mulf %add3A_9, %add3A_9 : vector<512x64xf32>
    %slice3A = vector.extract_strided_slice %mul3A {offsets = [0, 0], sizes = [512, 32], strides = [1, 1]} : vector<512x64xf32> to vector<512x32xf32>
    %slice3A_14 = vector.extract_strided_slice %mul3A {offsets = [0, 32], sizes = [512, 32], strides = [1, 1]} : vector<512x64xf32> to vector<512x32xf32>
    %add3A_15 = arith.addf %slice3A, %slice3A_14 : vector<512x32xf32>
    %slice3A_16 = vector.extract_strided_slice %add3A_15 {offsets = [0, 0], sizes = [512, 16], strides = [1, 1]} : vector<512x32xf32> to vector<512x16xf32>
    %slice3A_17 = vector.extract_strided_slice %add3A_15 {offsets = [0, 16], sizes = [512, 16], strides = [1, 1]} : vector<512x32xf32> to vector<512x16xf32>
    %add3A_18 = arith.addf %slice3A_16, %slice3A_17 : vector<512x16xf32>
    %slice3A_19 = vector.extract_strided_slice %add3A_18 {offsets = [0, 0], sizes = [512, 8], strides = [1, 1]} : vector<512x16xf32> to vector<512x8xf32>
    %slice3A_20 = vector.extract_strided_slice %add3A_18 {offsets = [0, 8], sizes = [512, 8], strides = [1, 1]} : vector<512x16xf32> to vector<512x8xf32>
    %add3A_21 = arith.addf %slice3A_19, %slice3A_20 : vector<512x8xf32>
    %slice3A_22 = vector.extract_strided_slice %add3A_21 {offsets = [0, 0], sizes = [512, 4], strides = [1, 1]} : vector<512x8xf32> to vector<512x4xf32>
    %slice3A_23 = vector.extract_strided_slice %add3A_21 {offsets = [0, 4], sizes = [512, 4], strides = [1, 1]} : vector<512x8xf32> to vector<512x4xf32>
    %add3A_24 = arith.addf %slice3A_22, %slice3A_23 : vector<512x4xf32>
    %slice3A_25 = vector.extract_strided_slice %add3A_24 {offsets = [0, 0], sizes = [512, 2], strides = [1, 1]} : vector<512x4xf32> to vector<512x2xf32>
    %slice3A_26 = vector.extract_strided_slice %add3A_24 {offsets = [0, 2], sizes = [512, 2], strides = [1, 1]} : vector<512x4xf32> to vector<512x2xf32>
    %add3A_27 = arith.addf %slice3A_25, %slice3A_26 : vector<512x2xf32>
    %slice3A_28 = vector.extract_strided_slice %add3A_27 {offsets = [0, 0], sizes = [512, 1], strides = [1, 1]} : vector<512x2xf32> to vector<512x1xf32>
    %slice3A_29 = vector.extract_strided_slice %add3A_27 {offsets = [0, 1], sizes = [512, 1], strides = [1, 1]} : vector<512x2xf32> to vector<512x1xf32>
    %add3A_30 = arith.addf %slice3A_28, %slice3A_29 : vector<512x1xf32>
    %iota3A = tpu.iota {dimensions = array<i32: 1>} : vector<512x128xi32>
    %convert_element_type3A_31 = arith.sitofp %iota3A : vector<512x128xi32> to vector<512x128xf32>
    %broadcast_in_dim3A = arith.constant 0x7F800000 : f32
    %broadcast_in_dim3A_32 = vector.broadcast %broadcast_in_dim3A : f32 to vector<512x1xf32>
    %broadcast_in_dim3A_33 = arith.constant 0 : i32
    %broadcast_in_dim3A_34 = vector.broadcast %broadcast_in_dim3A_33 : i32 to vector<512x1xi32>
    %get3A_35 = arith.constant 0 : index
    %get3A_36 = arith.constant 0 : index
    %get3A_37 = vector.load %arg4[%get3A_35, %get3A_36] : memref<8192x64xbf16, #tpu.memory_space<vmem>>, vector<2048x64xbf16>
    %dot_general3A_38 = arith.constant dense<0.000000e+00> : vector<512x2048xf32>
    %dot_general3A_39 = tpu.matmul %convert_element_type3A_13, %get3A_37, %dot_general3A_38 {dimension_numbers = #tpu.dot_dimension_numbers<[1], [1], [0], [0], [0, 0, 1, 0], [], []>, transpose_lhs_hint = false} : vector<512x64xbf16>, vector<2048x64xbf16>, vector<512x2048xf32> -> vector<512x2048xf32>
    %sub3A = vector.broadcast %add3A_30 : vector<512x1xf32> to vector<512x2048xf32>
    %sub3A_40 = arith.subf %sub3A, %dot_general3A_39 : vector<512x2048xf32>
    %get3A_41 = arith.constant 0 : index
    %get3A_42 = arith.constant 0 : index
    %get3A_43 = vector.load %arg5[%get3A_41, %get3A_42] : memref<1x8192xf32, #tpu.memory_space<vmem>>, vector<1x2048xf32>
    %add3A_44 = vector.broadcast %get3A_43 : vector<1x2048xf32> to vector<512x2048xf32>
    %add3A_45 = arith.addf %sub3A_40, %add3A_44 : vector<512x2048xf32>
    %slice3A_46 = vector.extract_strided_slice %add3A_45 {offsets = [0, 0], sizes = [512, 128], strides = [1, 1]} : vector<512x2048xf32> to vector<512x128xf32>
    %broadcast_in_dim3A_47 = arith.constant 0.000000e+00 : f32
    %broadcast_in_dim3A_48 = vector.broadcast %broadcast_in_dim3A_47 : f32 to vector<512x128xf32>
    %slice3A_49 = vector.extract_strided_slice %add3A_45 {offsets = [0, 128], sizes = [512, 128], strides = [1, 1]} : vector<512x2048xf32> to vector<512x128xf32>
    %lt3A = arith.cmpf olt, %slice3A_49, %slice3A_46 : vector<512x128xf32>
    %jit3A = arith.constant 1.000000e+00 : f32
    %broadcast_in_dim3A_50 = vector.broadcast %jit3A : f32 to vector<512x128xf32>
    %select_n3A = arith.select %lt3A, %broadcast_in_dim3A_50, %broadcast_in_dim3A_48 : vector<512x128xi1>, vector<512x128xf32>
    %min3A = arith.minimumf %slice3A_46, %slice3A_49 : vector<512x128xf32>
    %slice3A_51 = vector.extract_strided_slice %add3A_45 {offsets = [0, 256], sizes = [512, 128], strides = [1, 1]} : vector<512x2048xf32> to vector<512x128xf32>
    %lt3A_52 = arith.cmpf olt, %slice3A_51, %min3A : vector<512x128xf32>
    %jit3A_53 = arith.constant 2.000000e+00 : f32
    %broadcast_in_dim3A_54 = vector.broadcast %jit3A_53 : f32 to vector<512x128xf32>
    %select_n3A_55 = arith.select %lt3A_52, %broadcast_in_dim3A_54, %select_n3A : vector<512x128xi1>, vector<512x128xf32>
    %min3A_56 = arith.minimumf %min3A, %slice3A_51 : vector<512x128xf32>
    %slice3A_57 = vector.extract_strided_slice %add3A_45 {offsets = [0, 384], sizes = [512, 128], strides = [1, 1]} : vector<512x2048xf32> to vector<512x128xf32>
    %lt3A_58 = arith.cmpf olt, %slice3A_57, %min3A_56 : vector<512x128xf32>
    %jit3A_59 = arith.constant 3.000000e+00 : f32
    %broadcast_in_dim3A_60 = vector.broadcast %jit3A_59 : f32 to vector<512x128xf32>
    %select_n3A_61 = arith.select %lt3A_58, %broadcast_in_dim3A_60, %select_n3A_55 : vector<512x128xi1>, vector<512x128xf32>
    %min3A_62 = arith.minimumf %min3A_56, %slice3A_57 : vector<512x128xf32>
    %slice3A_63 = vector.extract_strided_slice %add3A_45 {offsets = [0, 512], sizes = [512, 128], strides = [1, 1]} : vector<512x2048xf32> to vector<512x128xf32>
    %lt3A_64 = arith.cmpf olt, %slice3A_63, %min3A_62 : vector<512x128xf32>
    %jit3A_65 = arith.constant 4.000000e+00 : f32
    %broadcast_in_dim3A_66 = vector.broadcast %jit3A_65 : f32 to vector<512x128xf32>
    %select_n3A_67 = arith.select %lt3A_64, %broadcast_in_dim3A_66, %select_n3A_61 : vector<512x128xi1>, vector<512x128xf32>
    %min3A_68 = arith.minimumf %min3A_62, %slice3A_63 : vector<512x128xf32>
    %slice3A_69 = vector.extract_strided_slice %add3A_45 {offsets = [0, 640], sizes = [512, 128], strides = [1, 1]} : vector<512x2048xf32> to vector<512x128xf32>
    %lt3A_70 = arith.cmpf olt, %slice3A_69, %min3A_68 : vector<512x128xf32>
    %jit3A_71 = arith.constant 5.000000e+00 : f32
    %broadcast_in_dim3A_72 = vector.broadcast %jit3A_71 : f32 to vector<512x128xf32>
    %select_n3A_73 = arith.select %lt3A_70, %broadcast_in_dim3A_72, %select_n3A_67 : vector<512x128xi1>, vector<512x128xf32>
    %min3A_74 = arith.minimumf %min3A_68, %slice3A_69 : vector<512x128xf32>
    %slice3A_75 = vector.extract_strided_slice %add3A_45 {offsets = [0, 768], sizes = [512, 128], strides = [1, 1]} : vector<512x2048xf32> to vector<512x128xf32>
    %lt3A_76 = arith.cmpf olt, %slice3A_75, %min3A_74 : vector<512x128xf32>
    %jit3A_77 = arith.constant 6.000000e+00 : f32
    %broadcast_in_dim3A_78 = vector.broadcast %jit3A_77 : f32 to vector<512x128xf32>
    %select_n3A_79 = arith.select %lt3A_76, %broadcast_in_dim3A_78, %select_n3A_73 : vector<512x128xi1>, vector<512x128xf32>
    %min3A_80 = arith.minimumf %min3A_74, %slice3A_75 : vector<512x128xf32>
    %slice3A_81 = vector.extract_strided_slice %add3A_45 {offsets = [0, 896], sizes = [512, 128], strides = [1, 1]} : vector<512x2048xf32> to vector<512x128xf32>
    %lt3A_82 = arith.cmpf olt, %slice3A_81, %min3A_80 : vector<512x128xf32>
    %jit3A_83 = arith.constant 7.000000e+00 : f32
    %broadcast_in_dim3A_84 = vector.broadcast %jit3A_83 : f32 to vector<512x128xf32>
    %select_n3A_85 = arith.select %lt3A_82, %broadcast_in_dim3A_84, %select_n3A_79 : vector<512x128xi1>, vector<512x128xf32>
    %min3A_86 = arith.minimumf %min3A_80, %slice3A_81 : vector<512x128xf32>
    %slice3A_87 = vector.extract_strided_slice %add3A_45 {offsets = [0, 1024], sizes = [512, 128], strides = [1, 1]} : vector<512x2048xf32> to vector<512x128xf32>
    %lt3A_88 = arith.cmpf olt, %slice3A_87, %min3A_86 : vector<512x128xf32>
    %jit3A_89 = arith.constant 8.000000e+00 : f32
    %broadcast_in_dim3A_90 = vector.broadcast %jit3A_89 : f32 to vector<512x128xf32>
    %select_n3A_91 = arith.select %lt3A_88, %broadcast_in_dim3A_90, %select_n3A_85 : vector<512x128xi1>, vector<512x128xf32>
    %min3A_92 = arith.minimumf %min3A_86, %slice3A_87 : vector<512x128xf32>
    %slice3A_93 = vector.extract_strided_slice %add3A_45 {offsets = [0, 1152], sizes = [512, 128], strides = [1, 1]} : vector<512x2048xf32> to vector<512x128xf32>
    %lt3A_94 = arith.cmpf olt, %slice3A_93, %min3A_92 : vector<512x128xf32>
    %jit3A_95 = arith.constant 9.000000e+00 : f32
    %broadcast_in_dim3A_96 = vector.broadcast %jit3A_95 : f32 to vector<512x128xf32>
    %select_n3A_97 = arith.select %lt3A_94, %broadcast_in_dim3A_96, %select_n3A_91 : vector<512x128xi1>, vector<512x128xf32>
    %min3A_98 = arith.minimumf %min3A_92, %slice3A_93 : vector<512x128xf32>
    %slice3A_99 = vector.extract_strided_slice %add3A_45 {offsets = [0, 1280], sizes = [512, 128], strides = [1, 1]} : vector<512x2048xf32> to vector<512x128xf32>
    %lt3A_100 = arith.cmpf olt, %slice3A_99, %min3A_98 : vector<512x128xf32>
    %jit3A_101 = arith.constant 1.000000e+01 : f32
    %broadcast_in_dim3A_102 = vector.broadcast %jit3A_101 : f32 to vector<512x128xf32>
    %select_n3A_103 = arith.select %lt3A_100, %broadcast_in_dim3A_102, %select_n3A_97 : vector<512x128xi1>, vector<512x128xf32>
    %min3A_104 = arith.minimumf %min3A_98, %slice3A_99 : vector<512x128xf32>
    %slice3A_105 = vector.extract_strided_slice %add3A_45 {offsets = [0, 1408], sizes = [512, 128], strides = [1, 1]} : vector<512x2048xf32> to vector<512x128xf32>
    %lt3A_106 = arith.cmpf olt, %slice3A_105, %min3A_104 : vector<512x128xf32>
    %jit3A_107 = arith.constant 1.100000e+01 : f32
    %broadcast_in_dim3A_108 = vector.broadcast %jit3A_107 : f32 to vector<512x128xf32>
    %select_n3A_109 = arith.select %lt3A_106, %broadcast_in_dim3A_108, %select_n3A_103 : vector<512x128xi1>, vector<512x128xf32>
    %min3A_110 = arith.minimumf %min3A_104, %slice3A_105 : vector<512x128xf32>
    %slice3A_111 = vector.extract_strided_slice %add3A_45 {offsets = [0, 1536], sizes = [512, 128], strides = [1, 1]} : vector<512x2048xf32> to vector<512x128xf32>
    %lt3A_112 = arith.cmpf olt, %slice3A_111, %min3A_110 : vector<512x128xf32>
    %jit3A_113 = arith.constant 1.200000e+01 : f32
    %broadcast_in_dim3A_114 = vector.broadcast %jit3A_113 : f32 to vector<512x128xf32>
    %select_n3A_115 = arith.select %lt3A_112, %broadcast_in_dim3A_114, %select_n3A_109 : vector<512x128xi1>, vector<512x128xf32>
    %min3A_116 = arith.minimumf %min3A_110, %slice3A_111 : vector<512x128xf32>
    %slice3A_117 = vector.extract_strided_slice %add3A_45 {offsets = [0, 1664], sizes = [512, 128], strides = [1, 1]} : vector<512x2048xf32> to vector<512x128xf32>
    %lt3A_118 = arith.cmpf olt, %slice3A_117, %min3A_116 : vector<512x128xf32>
    %jit3A_119 = arith.constant 1.300000e+01 : f32
    %broadcast_in_dim3A_120 = vector.broadcast %jit3A_119 : f32 to vector<512x128xf32>
    %select_n3A_121 = arith.select %lt3A_118, %broadcast_in_dim3A_120, %select_n3A_115 : vector<512x128xi1>, vector<512x128xf32>
    %min3A_122 = arith.minimumf %min3A_116, %slice3A_117 : vector<512x128xf32>
    %slice3A_123 = vector.extract_strided_slice %add3A_45 {offsets = [0, 1792], sizes = [512, 128], strides = [1, 1]} : vector<512x2048xf32> to vector<512x128xf32>
    %lt3A_124 = arith.cmpf olt, %slice3A_123, %min3A_122 : vector<512x128xf32>
    %jit3A_125 = arith.constant 1.400000e+01 : f32
    %broadcast_in_dim3A_126 = vector.broadcast %jit3A_125 : f32 to vector<512x128xf32>
    %select_n3A_127 = arith.select %lt3A_124, %broadcast_in_dim3A_126, %select_n3A_121 : vector<512x128xi1>, vector<512x128xf32>
    %min3A_128 = arith.minimumf %min3A_122, %slice3A_123 : vector<512x128xf32>
    %slice3A_129 = vector.extract_strided_slice %add3A_45 {offsets = [0, 1920], sizes = [512, 128], strides = [1, 1]} : vector<512x2048xf32> to vector<512x128xf32>
    %lt3A_130 = arith.cmpf olt, %slice3A_129, %min3A_128 : vector<512x128xf32>
    %jit3A_131 = arith.constant 1.500000e+01 : f32
    %broadcast_in_dim3A_132 = vector.broadcast %jit3A_131 : f32 to vector<512x128xf32>
    %select_n3A_133 = arith.select %lt3A_130, %broadcast_in_dim3A_132, %select_n3A_127 : vector<512x128xi1>, vector<512x128xf32>
    %min3A_134 = arith.minimumf %min3A_128, %slice3A_129 : vector<512x128xf32>
    %reduce_min3A = arith.constant dense<0x7F800000> : vector<512xf32>
    %reduce_min3A_135 = vector.multi_reduction <minimumf>, %min3A_134, %reduce_min3A [1] : vector<512x128xf32> to vector<512xf32>
    %broadcast_in_dim3A_136 = vector.shape_cast %reduce_min3A_135 : vector<512xf32> to vector<512x1xf32>
    %mul3A_137 = arith.constant 1.280000e+02 : f32
    %mul3A_138 = vector.broadcast %mul3A_137 : f32 to vector<512x128xf32>
    %mul3A_139 = arith.mulf %select_n3A_133, %mul3A_138 : vector<512x128xf32>
    %add3A_140 = arith.addf %mul3A_139, %convert_element_type3A_31 : vector<512x128xf32>
    %eq3A = vector.broadcast %broadcast_in_dim3A_136 : vector<512x1xf32> to vector<512x128xf32>
    %eq3A_141 = arith.cmpf oeq, %min3A_134, %eq3A : vector<512x128xf32>
    %jit3A_142 = arith.constant 1.000000e+09 : f32
    %broadcast_in_dim3A_143 = vector.broadcast %jit3A_142 : f32 to vector<512x128xf32>
    %select_n3A_144 = arith.select %eq3A_141, %add3A_140, %broadcast_in_dim3A_143 : vector<512x128xi1>, vector<512x128xf32>
    %reduce_min3A_145 = arith.constant dense<0x7F800000> : vector<512xf32>
    %reduce_min3A_146 = vector.multi_reduction <minimumf>, %select_n3A_144, %reduce_min3A_145 [1] : vector<512x128xf32> to vector<512xf32>
    %broadcast_in_dim3A_147 = vector.shape_cast %reduce_min3A_146 : vector<512xf32> to vector<512x1xf32>
    %convert_element_type3A_148 = arith.fptosi %broadcast_in_dim3A_147 : vector<512x1xf32> to vector<512x1xi32>
    %add3A_149 = arith.constant 0 : i32
    %add3A_150 = vector.broadcast %add3A_149 : i32 to vector<512x1xi32>
    %add3A_151 = arith.addi %convert_element_type3A_148, %add3A_150 : vector<512x1xi32>
    %lt3A_152 = arith.cmpf olt, %broadcast_in_dim3A_136, %broadcast_in_dim3A_32 : vector<512x1xf32>
    %select_n3A_153 = arith.select %lt3A_152, %add3A_151, %broadcast_in_dim3A_34 : vector<512x1xi1>, vector<512x1xi32>
    %bitcast_convert_type3A = tpu.bitcast %broadcast_in_dim3A_136 : vector<512x1xf32> -> vector<512x1xi32>
    %add3A_154 = arith.constant 32767 : i32
    %add3A_155 = vector.broadcast %add3A_154 : i32 to vector<512x1xi32>
    %add3A_156 = arith.addi %bitcast_convert_type3A, %add3A_155 : vector<512x1xi32>
    %shift_right_logical3A = arith.constant 16 : i32
    %shift_right_logical3A_157 = vector.broadcast %shift_right_logical3A : i32 to vector<512x1xi32>
    %shift_right_logical3A_158 = arith.shrui %bitcast_convert_type3A, %shift_right_logical3A_157 : vector<512x1xi32>
    %and3A = arith.constant 1 : i32
    %and3A_159 = vector.broadcast %and3A : i32 to vector<512x1xi32>
    %and3A_160 = arith.andi %shift_right_logical3A_158, %and3A_159 : vector<512x1xi32>
    %add3A_161 = arith.addi %add3A_156, %and3A_160 : vector<512x1xi32>
    %and3A_162 = arith.constant -65536 : i32
    %and3A_163 = vector.broadcast %and3A_162 : i32 to vector<512x1xi32>
    %and3A_164 = arith.andi %add3A_161, %and3A_163 : vector<512x1xi32>
    %bitcast_convert_type3A_165 = tpu.bitcast %and3A_164 : vector<512x1xi32> -> vector<512x1xf32>
    %select_n3A_166 = arith.select %lt3A_152, %bitcast_convert_type3A_165, %broadcast_in_dim3A_32 : vector<512x1xi1>, vector<512x1xf32>
    %get3A_167 = arith.constant 2048 : index
    %get3A_168 = arith.constant 0 : index
    %get3A_169 = vector.load %arg4[%get3A_167, %get3A_168] : memref<8192x64xbf16, #tpu.memory_space<vmem>>, vector<2048x64xbf16>
    %dot_general3A_170 = arith.constant dense<0.000000e+00> : vector<512x2048xf32>
    %dot_general3A_171 = tpu.matmul %convert_element_type3A_13, %get3A_169, %dot_general3A_170 {dimension_numbers = #tpu.dot_dimension_numbers<[1], [1], [0], [0], [0, 0, 1, 0], [], []>, transpose_lhs_hint = false} : vector<512x64xbf16>, vector<2048x64xbf16>, vector<512x2048xf32> -> vector<512x2048xf32>
    %sub3A_172 = vector.broadcast %add3A_30 : vector<512x1xf32> to vector<512x2048xf32>
    %sub3A_173 = arith.subf %sub3A_172, %dot_general3A_171 : vector<512x2048xf32>
    %get3A_174 = arith.constant 0 : index
    %get3A_175 = arith.constant 2048 : index
    %get3A_176 = vector.load %arg5[%get3A_174, %get3A_175] : memref<1x8192xf32, #tpu.memory_space<vmem>>, vector<1x2048xf32>
    %add3A_177 = vector.broadcast %get3A_176 : vector<1x2048xf32> to vector<512x2048xf32>
    %add3A_178 = arith.addf %sub3A_173, %add3A_177 : vector<512x2048xf32>
    %slice3A_179 = vector.extract_strided_slice %add3A_178 {offsets = [0, 0], sizes = [512, 128], strides = [1, 1]} : vector<512x2048xf32> to vector<512x128xf32>
    %broadcast_in_dim3A_180 = arith.constant 0.000000e+00 : f32
    %broadcast_in_dim3A_181 = vector.broadcast %broadcast_in_dim3A_180 : f32 to vector<512x128xf32>
    %slice3A_182 = vector.extract_strided_slice %add3A_178 {offsets = [0, 128], sizes = [512, 128], strides = [1, 1]} : vector<512x2048xf32> to vector<512x128xf32>
    %lt3A_183 = arith.cmpf olt, %slice3A_182, %slice3A_179 : vector<512x128xf32>
    %jit3A_184 = arith.constant 1.000000e+00 : f32
    %broadcast_in_dim3A_185 = vector.broadcast %jit3A_184 : f32 to vector<512x128xf32>
    %select_n3A_186 = arith.select %lt3A_183, %broadcast_in_dim3A_185, %broadcast_in_dim3A_181 : vector<512x128xi1>, vector<512x128xf32>
    %min3A_187 = arith.minimumf %slice3A_179, %slice3A_182 : vector<512x128xf32>
    %slice3A_188 = vector.extract_strided_slice %add3A_178 {offsets = [0, 256], sizes = [512, 128], strides = [1, 1]} : vector<512x2048xf32> to vector<512x128xf32>
    %lt3A_189 = arith.cmpf olt, %slice3A_188, %min3A_187 : vector<512x128xf32>
    %jit3A_190 = arith.constant 2.000000e+00 : f32
    %broadcast_in_dim3A_191 = vector.broadcast %jit3A_190 : f32 to vector<512x128xf32>
    %select_n3A_192 = arith.select %lt3A_189, %broadcast_in_dim3A_191, %select_n3A_186 : vector<512x128xi1>, vector<512x128xf32>
    %min3A_193 = arith.minimumf %min3A_187, %slice3A_188 : vector<512x128xf32>
    %slice3A_194 = vector.extract_strided_slice %add3A_178 {offsets = [0, 384], sizes = [512, 128], strides = [1, 1]} : vector<512x2048xf32> to vector<512x128xf32>
    %lt3A_195 = arith.cmpf olt, %slice3A_194, %min3A_193 : vector<512x128xf32>
    %jit3A_196 = arith.constant 3.000000e+00 : f32
    %broadcast_in_dim3A_197 = vector.broadcast %jit3A_196 : f32 to vector<512x128xf32>
    %select_n3A_198 = arith.select %lt3A_195, %broadcast_in_dim3A_197, %select_n3A_192 : vector<512x128xi1>, vector<512x128xf32>
    %min3A_199 = arith.minimumf %min3A_193, %slice3A_194 : vector<512x128xf32>
    %slice3A_200 = vector.extract_strided_slice %add3A_178 {offsets = [0, 512], sizes = [512, 128], strides = [1, 1]} : vector<512x2048xf32> to vector<512x128xf32>
    %lt3A_201 = arith.cmpf olt, %slice3A_200, %min3A_199 : vector<512x128xf32>
    %jit3A_202 = arith.constant 4.000000e+00 : f32
    %broadcast_in_dim3A_203 = vector.broadcast %jit3A_202 : f32 to vector<512x128xf32>
    %select_n3A_204 = arith.select %lt3A_201, %broadcast_in_dim3A_203, %select_n3A_198 : vector<512x128xi1>, vector<512x128xf32>
    %min3A_205 = arith.minimumf %min3A_199, %slice3A_200 : vector<512x128xf32>
    %slice3A_206 = vector.extract_strided_slice %add3A_178 {offsets = [0, 640], sizes = [512, 128], strides = [1, 1]} : vector<512x2048xf32> to vector<512x128xf32>
    %lt3A_207 = arith.cmpf olt, %slice3A_206, %min3A_205 : vector<512x128xf32>
    %jit3A_208 = arith.constant 5.000000e+00 : f32
    %broadcast_in_dim3A_209 = vector.broadcast %jit3A_208 : f32 to vector<512x128xf32>
    %select_n3A_210 = arith.select %lt3A_207, %broadcast_in_dim3A_209, %select_n3A_204 : vector<512x128xi1>, vector<512x128xf32>
    %min3A_211 = arith.minimumf %min3A_205, %slice3A_206 : vector<512x128xf32>
    %slice3A_212 = vector.extract_strided_slice %add3A_178 {offsets = [0, 768], sizes = [512, 128], strides = [1, 1]} : vector<512x2048xf32> to vector<512x128xf32>
    %lt3A_213 = arith.cmpf olt, %slice3A_212, %min3A_211 : vector<512x128xf32>
    %jit3A_214 = arith.constant 6.000000e+00 : f32
    %broadcast_in_dim3A_215 = vector.broadcast %jit3A_214 : f32 to vector<512x128xf32>
    %select_n3A_216 = arith.select %lt3A_213, %broadcast_in_dim3A_215, %select_n3A_210 : vector<512x128xi1>, vector<512x128xf32>
    %min3A_217 = arith.minimumf %min3A_211, %slice3A_212 : vector<512x128xf32>
    %slice3A_218 = vector.extract_strided_slice %add3A_178 {offsets = [0, 896], sizes = [512, 128], strides = [1, 1]} : vector<512x2048xf32> to vector<512x128xf32>
    %lt3A_219 = arith.cmpf olt, %slice3A_218, %min3A_217 : vector<512x128xf32>
    %jit3A_220 = arith.constant 7.000000e+00 : f32
    %broadcast_in_dim3A_221 = vector.broadcast %jit3A_220 : f32 to vector<512x128xf32>
    %select_n3A_222 = arith.select %lt3A_219, %broadcast_in_dim3A_221, %select_n3A_216 : vector<512x128xi1>, vector<512x128xf32>
    %min3A_223 = arith.minimumf %min3A_217, %slice3A_218 : vector<512x128xf32>
    %slice3A_224 = vector.extract_strided_slice %add3A_178 {offsets = [0, 1024], sizes = [512, 128], strides = [1, 1]} : vector<512x2048xf32> to vector<512x128xf32>
    %lt3A_225 = arith.cmpf olt, %slice3A_224, %min3A_223 : vector<512x128xf32>
    %jit3A_226 = arith.constant 8.000000e+00 : f32
    %broadcast_in_dim3A_227 = vector.broadcast %jit3A_226 : f32 to vector<512x128xf32>
    %select_n3A_228 = arith.select %lt3A_225, %broadcast_in_dim3A_227, %select_n3A_222 : vector<512x128xi1>, vector<512x128xf32>
    %min3A_229 = arith.minimumf %min3A_223, %slice3A_224 : vector<512x128xf32>
    %slice3A_230 = vector.extract_strided_slice %add3A_178 {offsets = [0, 1152], sizes = [512, 128], strides = [1, 1]} : vector<512x2048xf32> to vector<512x128xf32>
    %lt3A_231 = arith.cmpf olt, %slice3A_230, %min3A_229 : vector<512x128xf32>
    %jit3A_232 = arith.constant 9.000000e+00 : f32
    %broadcast_in_dim3A_233 = vector.broadcast %jit3A_232 : f32 to vector<512x128xf32>
    %select_n3A_234 = arith.select %lt3A_231, %broadcast_in_dim3A_233, %select_n3A_228 : vector<512x128xi1>, vector<512x128xf32>
    %min3A_235 = arith.minimumf %min3A_229, %slice3A_230 : vector<512x128xf32>
    %slice3A_236 = vector.extract_strided_slice %add3A_178 {offsets = [0, 1280], sizes = [512, 128], strides = [1, 1]} : vector<512x2048xf32> to vector<512x128xf32>
    %lt3A_237 = arith.cmpf olt, %slice3A_236, %min3A_235 : vector<512x128xf32>
    %jit3A_238 = arith.constant 1.000000e+01 : f32
    %broadcast_in_dim3A_239 = vector.broadcast %jit3A_238 : f32 to vector<512x128xf32>
    %select_n3A_240 = arith.select %lt3A_237, %broadcast_in_dim3A_239, %select_n3A_234 : vector<512x128xi1>, vector<512x128xf32>
    %min3A_241 = arith.minimumf %min3A_235, %slice3A_236 : vector<512x128xf32>
    %slice3A_242 = vector.extract_strided_slice %add3A_178 {offsets = [0, 1408], sizes = [512, 128], strides = [1, 1]} : vector<512x2048xf32> to vector<512x128xf32>
    %lt3A_243 = arith.cmpf olt, %slice3A_242, %min3A_241 : vector<512x128xf32>
    %jit3A_244 = arith.constant 1.100000e+01 : f32
    %broadcast_in_dim3A_245 = vector.broadcast %jit3A_244 : f32 to vector<512x128xf32>
    %select_n3A_246 = arith.select %lt3A_243, %broadcast_in_dim3A_245, %select_n3A_240 : vector<512x128xi1>, vector<512x128xf32>
    %min3A_247 = arith.minimumf %min3A_241, %slice3A_242 : vector<512x128xf32>
    %slice3A_248 = vector.extract_strided_slice %add3A_178 {offsets = [0, 1536], sizes = [512, 128], strides = [1, 1]} : vector<512x2048xf32> to vector<512x128xf32>
    %lt3A_249 = arith.cmpf olt, %slice3A_248, %min3A_247 : vector<512x128xf32>
    %jit3A_250 = arith.constant 1.200000e+01 : f32
    %broadcast_in_dim3A_251 = vector.broadcast %jit3A_250 : f32 to vector<512x128xf32>
    %select_n3A_252 = arith.select %lt3A_249, %broadcast_in_dim3A_251, %select_n3A_246 : vector<512x128xi1>, vector<512x128xf32>
    %min3A_253 = arith.minimumf %min3A_247, %slice3A_248 : vector<512x128xf32>
    %slice3A_254 = vector.extract_strided_slice %add3A_178 {offsets = [0, 1664], sizes = [512, 128], strides = [1, 1]} : vector<512x2048xf32> to vector<512x128xf32>
    %lt3A_255 = arith.cmpf olt, %slice3A_254, %min3A_253 : vector<512x128xf32>
    %jit3A_256 = arith.constant 1.300000e+01 : f32
    %broadcast_in_dim3A_257 = vector.broadcast %jit3A_256 : f32 to vector<512x128xf32>
    %select_n3A_258 = arith.select %lt3A_255, %broadcast_in_dim3A_257, %select_n3A_252 : vector<512x128xi1>, vector<512x128xf32>
    %min3A_259 = arith.minimumf %min3A_253, %slice3A_254 : vector<512x128xf32>
    %slice3A_260 = vector.extract_strided_slice %add3A_178 {offsets = [0, 1792], sizes = [512, 128], strides = [1, 1]} : vector<512x2048xf32> to vector<512x128xf32>
    %lt3A_261 = arith.cmpf olt, %slice3A_260, %min3A_259 : vector<512x128xf32>
    %jit3A_262 = arith.constant 1.400000e+01 : f32
    %broadcast_in_dim3A_263 = vector.broadcast %jit3A_262 : f32 to vector<512x128xf32>
    %select_n3A_264 = arith.select %lt3A_261, %broadcast_in_dim3A_263, %select_n3A_258 : vector<512x128xi1>, vector<512x128xf32>
    %min3A_265 = arith.minimumf %min3A_259, %slice3A_260 : vector<512x128xf32>
    %slice3A_266 = vector.extract_strided_slice %add3A_178 {offsets = [0, 1920], sizes = [512, 128], strides = [1, 1]} : vector<512x2048xf32> to vector<512x128xf32>
    %lt3A_267 = arith.cmpf olt, %slice3A_266, %min3A_265 : vector<512x128xf32>
    %jit3A_268 = arith.constant 1.500000e+01 : f32
    %broadcast_in_dim3A_269 = vector.broadcast %jit3A_268 : f32 to vector<512x128xf32>
    %select_n3A_270 = arith.select %lt3A_267, %broadcast_in_dim3A_269, %select_n3A_264 : vector<512x128xi1>, vector<512x128xf32>
    %min3A_271 = arith.minimumf %min3A_265, %slice3A_266 : vector<512x128xf32>
    %reduce_min3A_272 = arith.constant dense<0x7F800000> : vector<512xf32>
    %reduce_min3A_273 = vector.multi_reduction <minimumf>, %min3A_271, %reduce_min3A_272 [1] : vector<512x128xf32> to vector<512xf32>
    %broadcast_in_dim3A_274 = vector.shape_cast %reduce_min3A_273 : vector<512xf32> to vector<512x1xf32>
    %mul3A_275 = arith.constant 1.280000e+02 : f32
    %mul3A_276 = vector.broadcast %mul3A_275 : f32 to vector<512x128xf32>
    %mul3A_277 = arith.mulf %select_n3A_270, %mul3A_276 : vector<512x128xf32>
    %add3A_278 = arith.addf %mul3A_277, %convert_element_type3A_31 : vector<512x128xf32>
    %eq3A_279 = vector.broadcast %broadcast_in_dim3A_274 : vector<512x1xf32> to vector<512x128xf32>
    %eq3A_280 = arith.cmpf oeq, %min3A_271, %eq3A_279 : vector<512x128xf32>
    %jit3A_281 = arith.constant 1.000000e+09 : f32
    %broadcast_in_dim3A_282 = vector.broadcast %jit3A_281 : f32 to vector<512x128xf32>
    %select_n3A_283 = arith.select %eq3A_280, %add3A_278, %broadcast_in_dim3A_282 : vector<512x128xi1>, vector<512x128xf32>
    %reduce_min3A_284 = arith.constant dense<0x7F800000> : vector<512xf32>
    %reduce_min3A_285 = vector.multi_reduction <minimumf>, %select_n3A_283, %reduce_min3A_284 [1] : vector<512x128xf32> to vector<512xf32>
    %broadcast_in_dim3A_286 = vector.shape_cast %reduce_min3A_285 : vector<512xf32> to vector<512x1xf32>
    %convert_element_type3A_287 = arith.fptosi %broadcast_in_dim3A_286 : vector<512x1xf32> to vector<512x1xi32>
    %add3A_288 = arith.constant 2048 : i32
    %add3A_289 = vector.broadcast %add3A_288 : i32 to vector<512x1xi32>
    %add3A_290 = arith.addi %convert_element_type3A_287, %add3A_289 : vector<512x1xi32>
    %lt3A_291 = arith.cmpf olt, %broadcast_in_dim3A_274, %select_n3A_166 : vector<512x1xf32>
    %select_n3A_292 = arith.select %lt3A_291, %add3A_290, %select_n3A_153 : vector<512x1xi1>, vector<512x1xi32>
    %bitcast_convert_type3A_293 = tpu.bitcast %broadcast_in_dim3A_274 : vector<512x1xf32> -> vector<512x1xi32>
    %add3A_294 = arith.constant 32767 : i32
    %add3A_295 = vector.broadcast %add3A_294 : i32 to vector<512x1xi32>
    %add3A_296 = arith.addi %bitcast_convert_type3A_293, %add3A_295 : vector<512x1xi32>
    %shift_right_logical3A_297 = arith.constant 16 : i32
    %shift_right_logical3A_298 = vector.broadcast %shift_right_logical3A_297 : i32 to vector<512x1xi32>
    %shift_right_logical3A_299 = arith.shrui %bitcast_convert_type3A_293, %shift_right_logical3A_298 : vector<512x1xi32>
    %and3A_300 = arith.constant 1 : i32
    %and3A_301 = vector.broadcast %and3A_300 : i32 to vector<512x1xi32>
    %and3A_302 = arith.andi %shift_right_logical3A_299, %and3A_301 : vector<512x1xi32>
    %add3A_303 = arith.addi %add3A_296, %and3A_302 : vector<512x1xi32>
    %and3A_304 = arith.constant -65536 : i32
    %and3A_305 = vector.broadcast %and3A_304 : i32 to vector<512x1xi32>
    %and3A_306 = arith.andi %add3A_303, %and3A_305 : vector<512x1xi32>
    %bitcast_convert_type3A_307 = tpu.bitcast %and3A_306 : vector<512x1xi32> -> vector<512x1xf32>
    %select_n3A_308 = arith.select %lt3A_291, %bitcast_convert_type3A_307, %select_n3A_166 : vector<512x1xi1>, vector<512x1xf32>
    %get3A_309 = arith.constant 4096 : index
    %get3A_310 = arith.constant 0 : index
    %get3A_311 = vector.load %arg4[%get3A_309, %get3A_310] : memref<8192x64xbf16, #tpu.memory_space<vmem>>, vector<2048x64xbf16>
    %dot_general3A_312 = arith.constant dense<0.000000e+00> : vector<512x2048xf32>
    %dot_general3A_313 = tpu.matmul %convert_element_type3A_13, %get3A_311, %dot_general3A_312 {dimension_numbers = #tpu.dot_dimension_numbers<[1], [1], [0], [0], [0, 0, 1, 0], [], []>, transpose_lhs_hint = false} : vector<512x64xbf16>, vector<2048x64xbf16>, vector<512x2048xf32> -> vector<512x2048xf32>
    %sub3A_314 = vector.broadcast %add3A_30 : vector<512x1xf32> to vector<512x2048xf32>
    %sub3A_315 = arith.subf %sub3A_314, %dot_general3A_313 : vector<512x2048xf32>
    %get3A_316 = arith.constant 0 : index
    %get3A_317 = arith.constant 4096 : index
    %get3A_318 = vector.load %arg5[%get3A_316, %get3A_317] : memref<1x8192xf32, #tpu.memory_space<vmem>>, vector<1x2048xf32>
    %add3A_319 = vector.broadcast %get3A_318 : vector<1x2048xf32> to vector<512x2048xf32>
    %add3A_320 = arith.addf %sub3A_315, %add3A_319 : vector<512x2048xf32>
    %slice3A_321 = vector.extract_strided_slice %add3A_320 {offsets = [0, 0], sizes = [512, 128], strides = [1, 1]} : vector<512x2048xf32> to vector<512x128xf32>
    %broadcast_in_dim3A_322 = arith.constant 0.000000e+00 : f32
    %broadcast_in_dim3A_323 = vector.broadcast %broadcast_in_dim3A_322 : f32 to vector<512x128xf32>
    %slice3A_324 = vector.extract_strided_slice %add3A_320 {offsets = [0, 128], sizes = [512, 128], strides = [1, 1]} : vector<512x2048xf32> to vector<512x128xf32>
    %lt3A_325 = arith.cmpf olt, %slice3A_324, %slice3A_321 : vector<512x128xf32>
    %jit3A_326 = arith.constant 1.000000e+00 : f32
    %broadcast_in_dim3A_327 = vector.broadcast %jit3A_326 : f32 to vector<512x128xf32>
    %select_n3A_328 = arith.select %lt3A_325, %broadcast_in_dim3A_327, %broadcast_in_dim3A_323 : vector<512x128xi1>, vector<512x128xf32>
    %min3A_329 = arith.minimumf %slice3A_321, %slice3A_324 : vector<512x128xf32>
    %slice3A_330 = vector.extract_strided_slice %add3A_320 {offsets = [0, 256], sizes = [512, 128], strides = [1, 1]} : vector<512x2048xf32> to vector<512x128xf32>
    %lt3A_331 = arith.cmpf olt, %slice3A_330, %min3A_329 : vector<512x128xf32>
    %jit3A_332 = arith.constant 2.000000e+00 : f32
    %broadcast_in_dim3A_333 = vector.broadcast %jit3A_332 : f32 to vector<512x128xf32>
    %select_n3A_334 = arith.select %lt3A_331, %broadcast_in_dim3A_333, %select_n3A_328 : vector<512x128xi1>, vector<512x128xf32>
    %min3A_335 = arith.minimumf %min3A_329, %slice3A_330 : vector<512x128xf32>
    %slice3A_336 = vector.extract_strided_slice %add3A_320 {offsets = [0, 384], sizes = [512, 128], strides = [1, 1]} : vector<512x2048xf32> to vector<512x128xf32>
    %lt3A_337 = arith.cmpf olt, %slice3A_336, %min3A_335 : vector<512x128xf32>
    %jit3A_338 = arith.constant 3.000000e+00 : f32
    %broadcast_in_dim3A_339 = vector.broadcast %jit3A_338 : f32 to vector<512x128xf32>
    %select_n3A_340 = arith.select %lt3A_337, %broadcast_in_dim3A_339, %select_n3A_334 : vector<512x128xi1>, vector<512x128xf32>
    %min3A_341 = arith.minimumf %min3A_335, %slice3A_336 : vector<512x128xf32>
    %slice3A_342 = vector.extract_strided_slice %add3A_320 {offsets = [0, 512], sizes = [512, 128], strides = [1, 1]} : vector<512x2048xf32> to vector<512x128xf32>
    %lt3A_343 = arith.cmpf olt, %slice3A_342, %min3A_341 : vector<512x128xf32>
    %jit3A_344 = arith.constant 4.000000e+00 : f32
    %broadcast_in_dim3A_345 = vector.broadcast %jit3A_344 : f32 to vector<512x128xf32>
    %select_n3A_346 = arith.select %lt3A_343, %broadcast_in_dim3A_345, %select_n3A_340 : vector<512x128xi1>, vector<512x128xf32>
    %min3A_347 = arith.minimumf %min3A_341, %slice3A_342 : vector<512x128xf32>
    %slice3A_348 = vector.extract_strided_slice %add3A_320 {offsets = [0, 640], sizes = [512, 128], strides = [1, 1]} : vector<512x2048xf32> to vector<512x128xf32>
    %lt3A_349 = arith.cmpf olt, %slice3A_348, %min3A_347 : vector<512x128xf32>
    %jit3A_350 = arith.constant 5.000000e+00 : f32
    %broadcast_in_dim3A_351 = vector.broadcast %jit3A_350 : f32 to vector<512x128xf32>
    %select_n3A_352 = arith.select %lt3A_349, %broadcast_in_dim3A_351, %select_n3A_346 : vector<512x128xi1>, vector<512x128xf32>
    %min3A_353 = arith.minimumf %min3A_347, %slice3A_348 : vector<512x128xf32>
    %slice3A_354 = vector.extract_strided_slice %add3A_320 {offsets = [0, 768], sizes = [512, 128], strides = [1, 1]} : vector<512x2048xf32> to vector<512x128xf32>
    %lt3A_355 = arith.cmpf olt, %slice3A_354, %min3A_353 : vector<512x128xf32>
    %jit3A_356 = arith.constant 6.000000e+00 : f32
    %broadcast_in_dim3A_357 = vector.broadcast %jit3A_356 : f32 to vector<512x128xf32>
    %select_n3A_358 = arith.select %lt3A_355, %broadcast_in_dim3A_357, %select_n3A_352 : vector<512x128xi1>, vector<512x128xf32>
    %min3A_359 = arith.minimumf %min3A_353, %slice3A_354 : vector<512x128xf32>
    %slice3A_360 = vector.extract_strided_slice %add3A_320 {offsets = [0, 896], sizes = [512, 128], strides = [1, 1]} : vector<512x2048xf32> to vector<512x128xf32>
    %lt3A_361 = arith.cmpf olt, %slice3A_360, %min3A_359 : vector<512x128xf32>
    %jit3A_362 = arith.constant 7.000000e+00 : f32
    %broadcast_in_dim3A_363 = vector.broadcast %jit3A_362 : f32 to vector<512x128xf32>
    %select_n3A_364 = arith.select %lt3A_361, %broadcast_in_dim3A_363, %select_n3A_358 : vector<512x128xi1>, vector<512x128xf32>
    %min3A_365 = arith.minimumf %min3A_359, %slice3A_360 : vector<512x128xf32>
    %slice3A_366 = vector.extract_strided_slice %add3A_320 {offsets = [0, 1024], sizes = [512, 128], strides = [1, 1]} : vector<512x2048xf32> to vector<512x128xf32>
    %lt3A_367 = arith.cmpf olt, %slice3A_366, %min3A_365 : vector<512x128xf32>
    %jit3A_368 = arith.constant 8.000000e+00 : f32
    %broadcast_in_dim3A_369 = vector.broadcast %jit3A_368 : f32 to vector<512x128xf32>
    %select_n3A_370 = arith.select %lt3A_367, %broadcast_in_dim3A_369, %select_n3A_364 : vector<512x128xi1>, vector<512x128xf32>
    %min3A_371 = arith.minimumf %min3A_365, %slice3A_366 : vector<512x128xf32>
    %slice3A_372 = vector.extract_strided_slice %add3A_320 {offsets = [0, 1152], sizes = [512, 128], strides = [1, 1]} : vector<512x2048xf32> to vector<512x128xf32>
    %lt3A_373 = arith.cmpf olt, %slice3A_372, %min3A_371 : vector<512x128xf32>
    %jit3A_374 = arith.constant 9.000000e+00 : f32
    %broadcast_in_dim3A_375 = vector.broadcast %jit3A_374 : f32 to vector<512x128xf32>
    %select_n3A_376 = arith.select %lt3A_373, %broadcast_in_dim3A_375, %select_n3A_370 : vector<512x128xi1>, vector<512x128xf32>
    %min3A_377 = arith.minimumf %min3A_371, %slice3A_372 : vector<512x128xf32>
    %slice3A_378 = vector.extract_strided_slice %add3A_320 {offsets = [0, 1280], sizes = [512, 128], strides = [1, 1]} : vector<512x2048xf32> to vector<512x128xf32>
    %lt3A_379 = arith.cmpf olt, %slice3A_378, %min3A_377 : vector<512x128xf32>
    %jit3A_380 = arith.constant 1.000000e+01 : f32
    %broadcast_in_dim3A_381 = vector.broadcast %jit3A_380 : f32 to vector<512x128xf32>
    %select_n3A_382 = arith.select %lt3A_379, %broadcast_in_dim3A_381, %select_n3A_376 : vector<512x128xi1>, vector<512x128xf32>
    %min3A_383 = arith.minimumf %min3A_377, %slice3A_378 : vector<512x128xf32>
    %slice3A_384 = vector.extract_strided_slice %add3A_320 {offsets = [0, 1408], sizes = [512, 128], strides = [1, 1]} : vector<512x2048xf32> to vector<512x128xf32>
    %lt3A_385 = arith.cmpf olt, %slice3A_384, %min3A_383 : vector<512x128xf32>
    %jit3A_386 = arith.constant 1.100000e+01 : f32
    %broadcast_in_dim3A_387 = vector.broadcast %jit3A_386 : f32 to vector<512x128xf32>
    %select_n3A_388 = arith.select %lt3A_385, %broadcast_in_dim3A_387, %select_n3A_382 : vector<512x128xi1>, vector<512x128xf32>
    %min3A_389 = arith.minimumf %min3A_383, %slice3A_384 : vector<512x128xf32>
    %slice3A_390 = vector.extract_strided_slice %add3A_320 {offsets = [0, 1536], sizes = [512, 128], strides = [1, 1]} : vector<512x2048xf32> to vector<512x128xf32>
    %lt3A_391 = arith.cmpf olt, %slice3A_390, %min3A_389 : vector<512x128xf32>
    %jit3A_392 = arith.constant 1.200000e+01 : f32
    %broadcast_in_dim3A_393 = vector.broadcast %jit3A_392 : f32 to vector<512x128xf32>
    %select_n3A_394 = arith.select %lt3A_391, %broadcast_in_dim3A_393, %select_n3A_388 : vector<512x128xi1>, vector<512x128xf32>
    %min3A_395 = arith.minimumf %min3A_389, %slice3A_390 : vector<512x128xf32>
    %slice3A_396 = vector.extract_strided_slice %add3A_320 {offsets = [0, 1664], sizes = [512, 128], strides = [1, 1]} : vector<512x2048xf32> to vector<512x128xf32>
    %lt3A_397 = arith.cmpf olt, %slice3A_396, %min3A_395 : vector<512x128xf32>
    %jit3A_398 = arith.constant 1.300000e+01 : f32
    %broadcast_in_dim3A_399 = vector.broadcast %jit3A_398 : f32 to vector<512x128xf32>
    %select_n3A_400 = arith.select %lt3A_397, %broadcast_in_dim3A_399, %select_n3A_394 : vector<512x128xi1>, vector<512x128xf32>
    %min3A_401 = arith.minimumf %min3A_395, %slice3A_396 : vector<512x128xf32>
    %slice3A_402 = vector.extract_strided_slice %add3A_320 {offsets = [0, 1792], sizes = [512, 128], strides = [1, 1]} : vector<512x2048xf32> to vector<512x128xf32>
    %lt3A_403 = arith.cmpf olt, %slice3A_402, %min3A_401 : vector<512x128xf32>
    %jit3A_404 = arith.constant 1.400000e+01 : f32
    %broadcast_in_dim3A_405 = vector.broadcast %jit3A_404 : f32 to vector<512x128xf32>
    %select_n3A_406 = arith.select %lt3A_403, %broadcast_in_dim3A_405, %select_n3A_400 : vector<512x128xi1>, vector<512x128xf32>
    %min3A_407 = arith.minimumf %min3A_401, %slice3A_402 : vector<512x128xf32>
    %slice3A_408 = vector.extract_strided_slice %add3A_320 {offsets = [0, 1920], sizes = [512, 128], strides = [1, 1]} : vector<512x2048xf32> to vector<512x128xf32>
    %lt3A_409 = arith.cmpf olt, %slice3A_408, %min3A_407 : vector<512x128xf32>
    %jit3A_410 = arith.constant 1.500000e+01 : f32
    %broadcast_in_dim3A_411 = vector.broadcast %jit3A_410 : f32 to vector<512x128xf32>
    %select_n3A_412 = arith.select %lt3A_409, %broadcast_in_dim3A_411, %select_n3A_406 : vector<512x128xi1>, vector<512x128xf32>
    %min3A_413 = arith.minimumf %min3A_407, %slice3A_408 : vector<512x128xf32>
    %reduce_min3A_414 = arith.constant dense<0x7F800000> : vector<512xf32>
    %reduce_min3A_415 = vector.multi_reduction <minimumf>, %min3A_413, %reduce_min3A_414 [1] : vector<512x128xf32> to vector<512xf32>
    %broadcast_in_dim3A_416 = vector.shape_cast %reduce_min3A_415 : vector<512xf32> to vector<512x1xf32>
    %mul3A_417 = arith.constant 1.280000e+02 : f32
    %mul3A_418 = vector.broadcast %mul3A_417 : f32 to vector<512x128xf32>
    %mul3A_419 = arith.mulf %select_n3A_412, %mul3A_418 : vector<512x128xf32>
    %add3A_420 = arith.addf %mul3A_419, %convert_element_type3A_31 : vector<512x128xf32>
    %eq3A_421 = vector.broadcast %broadcast_in_dim3A_416 : vector<512x1xf32> to vector<512x128xf32>
    %eq3A_422 = arith.cmpf oeq, %min3A_413, %eq3A_421 : vector<512x128xf32>
    %jit3A_423 = arith.constant 1.000000e+09 : f32
    %broadcast_in_dim3A_424 = vector.broadcast %jit3A_423 : f32 to vector<512x128xf32>
    %select_n3A_425 = arith.select %eq3A_422, %add3A_420, %broadcast_in_dim3A_424 : vector<512x128xi1>, vector<512x128xf32>
    %reduce_min3A_426 = arith.constant dense<0x7F800000> : vector<512xf32>
    %reduce_min3A_427 = vector.multi_reduction <minimumf>, %select_n3A_425, %reduce_min3A_426 [1] : vector<512x128xf32> to vector<512xf32>
    %broadcast_in_dim3A_428 = vector.shape_cast %reduce_min3A_427 : vector<512xf32> to vector<512x1xf32>
    %convert_element_type3A_429 = arith.fptosi %broadcast_in_dim3A_428 : vector<512x1xf32> to vector<512x1xi32>
    %add3A_430 = arith.constant 4096 : i32
    %add3A_431 = vector.broadcast %add3A_430 : i32 to vector<512x1xi32>
    %add3A_432 = arith.addi %convert_element_type3A_429, %add3A_431 : vector<512x1xi32>
    %lt3A_433 = arith.cmpf olt, %broadcast_in_dim3A_416, %select_n3A_308 : vector<512x1xf32>
    %select_n3A_434 = arith.select %lt3A_433, %add3A_432, %select_n3A_292 : vector<512x1xi1>, vector<512x1xi32>
    %bitcast_convert_type3A_435 = tpu.bitcast %broadcast_in_dim3A_416 : vector<512x1xf32> -> vector<512x1xi32>
    %add3A_436 = arith.constant 32767 : i32
    %add3A_437 = vector.broadcast %add3A_436 : i32 to vector<512x1xi32>
    %add3A_438 = arith.addi %bitcast_convert_type3A_435, %add3A_437 : vector<512x1xi32>
    %shift_right_logical3A_439 = arith.constant 16 : i32
    %shift_right_logical3A_440 = vector.broadcast %shift_right_logical3A_439 : i32 to vector<512x1xi32>
    %shift_right_logical3A_441 = arith.shrui %bitcast_convert_type3A_435, %shift_right_logical3A_440 : vector<512x1xi32>
    %and3A_442 = arith.constant 1 : i32
    %and3A_443 = vector.broadcast %and3A_442 : i32 to vector<512x1xi32>
    %and3A_444 = arith.andi %shift_right_logical3A_441, %and3A_443 : vector<512x1xi32>
    %add3A_445 = arith.addi %add3A_438, %and3A_444 : vector<512x1xi32>
    %and3A_446 = arith.constant -65536 : i32
    %and3A_447 = vector.broadcast %and3A_446 : i32 to vector<512x1xi32>
    %and3A_448 = arith.andi %add3A_445, %and3A_447 : vector<512x1xi32>
    %bitcast_convert_type3A_449 = tpu.bitcast %and3A_448 : vector<512x1xi32> -> vector<512x1xf32>
    %select_n3A_450 = arith.select %lt3A_433, %bitcast_convert_type3A_449, %select_n3A_308 : vector<512x1xi1>, vector<512x1xf32>
    %get3A_451 = arith.constant 6144 : index
    %get3A_452 = arith.constant 0 : index
    %get3A_453 = vector.load %arg4[%get3A_451, %get3A_452] : memref<8192x64xbf16, #tpu.memory_space<vmem>>, vector<2048x64xbf16>
    %dot_general3A_454 = arith.constant dense<0.000000e+00> : vector<512x2048xf32>
    %dot_general3A_455 = tpu.matmul %convert_element_type3A_13, %get3A_453, %dot_general3A_454 {dimension_numbers = #tpu.dot_dimension_numbers<[1], [1], [0], [0], [0, 0, 1, 0], [], []>, transpose_lhs_hint = false} : vector<512x64xbf16>, vector<2048x64xbf16>, vector<512x2048xf32> -> vector<512x2048xf32>
    %sub3A_456 = vector.broadcast %add3A_30 : vector<512x1xf32> to vector<512x2048xf32>
    %sub3A_457 = arith.subf %sub3A_456, %dot_general3A_455 : vector<512x2048xf32>
    %get3A_458 = arith.constant 0 : index
    %get3A_459 = arith.constant 6144 : index
    %get3A_460 = vector.load %arg5[%get3A_458, %get3A_459] : memref<1x8192xf32, #tpu.memory_space<vmem>>, vector<1x2048xf32>
    %add3A_461 = vector.broadcast %get3A_460 : vector<1x2048xf32> to vector<512x2048xf32>
    %add3A_462 = arith.addf %sub3A_457, %add3A_461 : vector<512x2048xf32>
    %slice3A_463 = vector.extract_strided_slice %add3A_462 {offsets = [0, 0], sizes = [512, 128], strides = [1, 1]} : vector<512x2048xf32> to vector<512x128xf32>
    %broadcast_in_dim3A_464 = arith.constant 0.000000e+00 : f32
    %broadcast_in_dim3A_465 = vector.broadcast %broadcast_in_dim3A_464 : f32 to vector<512x128xf32>
    %slice3A_466 = vector.extract_strided_slice %add3A_462 {offsets = [0, 128], sizes = [512, 128], strides = [1, 1]} : vector<512x2048xf32> to vector<512x128xf32>
    %lt3A_467 = arith.cmpf olt, %slice3A_466, %slice3A_463 : vector<512x128xf32>
    %jit3A_468 = arith.constant 1.000000e+00 : f32
    %broadcast_in_dim3A_469 = vector.broadcast %jit3A_468 : f32 to vector<512x128xf32>
    %select_n3A_470 = arith.select %lt3A_467, %broadcast_in_dim3A_469, %broadcast_in_dim3A_465 : vector<512x128xi1>, vector<512x128xf32>
    %min3A_471 = arith.minimumf %slice3A_463, %slice3A_466 : vector<512x128xf32>
    %slice3A_472 = vector.extract_strided_slice %add3A_462 {offsets = [0, 256], sizes = [512, 128], strides = [1, 1]} : vector<512x2048xf32> to vector<512x128xf32>
    %lt3A_473 = arith.cmpf olt, %slice3A_472, %min3A_471 : vector<512x128xf32>
    %jit3A_474 = arith.constant 2.000000e+00 : f32
    %broadcast_in_dim3A_475 = vector.broadcast %jit3A_474 : f32 to vector<512x128xf32>
    %select_n3A_476 = arith.select %lt3A_473, %broadcast_in_dim3A_475, %select_n3A_470 : vector<512x128xi1>, vector<512x128xf32>
    %min3A_477 = arith.minimumf %min3A_471, %slice3A_472 : vector<512x128xf32>
    %slice3A_478 = vector.extract_strided_slice %add3A_462 {offsets = [0, 384], sizes = [512, 128], strides = [1, 1]} : vector<512x2048xf32> to vector<512x128xf32>
    %lt3A_479 = arith.cmpf olt, %slice3A_478, %min3A_477 : vector<512x128xf32>
    %jit3A_480 = arith.constant 3.000000e+00 : f32
    %broadcast_in_dim3A_481 = vector.broadcast %jit3A_480 : f32 to vector<512x128xf32>
    %select_n3A_482 = arith.select %lt3A_479, %broadcast_in_dim3A_481, %select_n3A_476 : vector<512x128xi1>, vector<512x128xf32>
    %min3A_483 = arith.minimumf %min3A_477, %slice3A_478 : vector<512x128xf32>
    %slice3A_484 = vector.extract_strided_slice %add3A_462 {offsets = [0, 512], sizes = [512, 128], strides = [1, 1]} : vector<512x2048xf32> to vector<512x128xf32>
    %lt3A_485 = arith.cmpf olt, %slice3A_484, %min3A_483 : vector<512x128xf32>
    %jit3A_486 = arith.constant 4.000000e+00 : f32
    %broadcast_in_dim3A_487 = vector.broadcast %jit3A_486 : f32 to vector<512x128xf32>
    %select_n3A_488 = arith.select %lt3A_485, %broadcast_in_dim3A_487, %select_n3A_482 : vector<512x128xi1>, vector<512x128xf32>
    %min3A_489 = arith.minimumf %min3A_483, %slice3A_484 : vector<512x128xf32>
    %slice3A_490 = vector.extract_strided_slice %add3A_462 {offsets = [0, 640], sizes = [512, 128], strides = [1, 1]} : vector<512x2048xf32> to vector<512x128xf32>
    %lt3A_491 = arith.cmpf olt, %slice3A_490, %min3A_489 : vector<512x128xf32>
    %jit3A_492 = arith.constant 5.000000e+00 : f32
    %broadcast_in_dim3A_493 = vector.broadcast %jit3A_492 : f32 to vector<512x128xf32>
    %select_n3A_494 = arith.select %lt3A_491, %broadcast_in_dim3A_493, %select_n3A_488 : vector<512x128xi1>, vector<512x128xf32>
    %min3A_495 = arith.minimumf %min3A_489, %slice3A_490 : vector<512x128xf32>
    %slice3A_496 = vector.extract_strided_slice %add3A_462 {offsets = [0, 768], sizes = [512, 128], strides = [1, 1]} : vector<512x2048xf32> to vector<512x128xf32>
    %lt3A_497 = arith.cmpf olt, %slice3A_496, %min3A_495 : vector<512x128xf32>
    %jit3A_498 = arith.constant 6.000000e+00 : f32
    %broadcast_in_dim3A_499 = vector.broadcast %jit3A_498 : f32 to vector<512x128xf32>
    %select_n3A_500 = arith.select %lt3A_497, %broadcast_in_dim3A_499, %select_n3A_494 : vector<512x128xi1>, vector<512x128xf32>
    %min3A_501 = arith.minimumf %min3A_495, %slice3A_496 : vector<512x128xf32>
    %slice3A_502 = vector.extract_strided_slice %add3A_462 {offsets = [0, 896], sizes = [512, 128], strides = [1, 1]} : vector<512x2048xf32> to vector<512x128xf32>
    %lt3A_503 = arith.cmpf olt, %slice3A_502, %min3A_501 : vector<512x128xf32>
    %jit3A_504 = arith.constant 7.000000e+00 : f32
    %broadcast_in_dim3A_505 = vector.broadcast %jit3A_504 : f32 to vector<512x128xf32>
    %select_n3A_506 = arith.select %lt3A_503, %broadcast_in_dim3A_505, %select_n3A_500 : vector<512x128xi1>, vector<512x128xf32>
    %min3A_507 = arith.minimumf %min3A_501, %slice3A_502 : vector<512x128xf32>
    %slice3A_508 = vector.extract_strided_slice %add3A_462 {offsets = [0, 1024], sizes = [512, 128], strides = [1, 1]} : vector<512x2048xf32> to vector<512x128xf32>
    %lt3A_509 = arith.cmpf olt, %slice3A_508, %min3A_507 : vector<512x128xf32>
    %jit3A_510 = arith.constant 8.000000e+00 : f32
    %broadcast_in_dim3A_511 = vector.broadcast %jit3A_510 : f32 to vector<512x128xf32>
    %select_n3A_512 = arith.select %lt3A_509, %broadcast_in_dim3A_511, %select_n3A_506 : vector<512x128xi1>, vector<512x128xf32>
    %min3A_513 = arith.minimumf %min3A_507, %slice3A_508 : vector<512x128xf32>
    %slice3A_514 = vector.extract_strided_slice %add3A_462 {offsets = [0, 1152], sizes = [512, 128], strides = [1, 1]} : vector<512x2048xf32> to vector<512x128xf32>
    %lt3A_515 = arith.cmpf olt, %slice3A_514, %min3A_513 : vector<512x128xf32>
    %jit3A_516 = arith.constant 9.000000e+00 : f32
    %broadcast_in_dim3A_517 = vector.broadcast %jit3A_516 : f32 to vector<512x128xf32>
    %select_n3A_518 = arith.select %lt3A_515, %broadcast_in_dim3A_517, %select_n3A_512 : vector<512x128xi1>, vector<512x128xf32>
    %min3A_519 = arith.minimumf %min3A_513, %slice3A_514 : vector<512x128xf32>
    %slice3A_520 = vector.extract_strided_slice %add3A_462 {offsets = [0, 1280], sizes = [512, 128], strides = [1, 1]} : vector<512x2048xf32> to vector<512x128xf32>
    %lt3A_521 = arith.cmpf olt, %slice3A_520, %min3A_519 : vector<512x128xf32>
    %jit3A_522 = arith.constant 1.000000e+01 : f32
    %broadcast_in_dim3A_523 = vector.broadcast %jit3A_522 : f32 to vector<512x128xf32>
    %select_n3A_524 = arith.select %lt3A_521, %broadcast_in_dim3A_523, %select_n3A_518 : vector<512x128xi1>, vector<512x128xf32>
    %min3A_525 = arith.minimumf %min3A_519, %slice3A_520 : vector<512x128xf32>
    %slice3A_526 = vector.extract_strided_slice %add3A_462 {offsets = [0, 1408], sizes = [512, 128], strides = [1, 1]} : vector<512x2048xf32> to vector<512x128xf32>
    %lt3A_527 = arith.cmpf olt, %slice3A_526, %min3A_525 : vector<512x128xf32>
    %jit3A_528 = arith.constant 1.100000e+01 : f32
    %broadcast_in_dim3A_529 = vector.broadcast %jit3A_528 : f32 to vector<512x128xf32>
    %select_n3A_530 = arith.select %lt3A_527, %broadcast_in_dim3A_529, %select_n3A_524 : vector<512x128xi1>, vector<512x128xf32>
    %min3A_531 = arith.minimumf %min3A_525, %slice3A_526 : vector<512x128xf32>
    %slice3A_532 = vector.extract_strided_slice %add3A_462 {offsets = [0, 1536], sizes = [512, 128], strides = [1, 1]} : vector<512x2048xf32> to vector<512x128xf32>
    %lt3A_533 = arith.cmpf olt, %slice3A_532, %min3A_531 : vector<512x128xf32>
    %jit3A_534 = arith.constant 1.200000e+01 : f32
    %broadcast_in_dim3A_535 = vector.broadcast %jit3A_534 : f32 to vector<512x128xf32>
    %select_n3A_536 = arith.select %lt3A_533, %broadcast_in_dim3A_535, %select_n3A_530 : vector<512x128xi1>, vector<512x128xf32>
    %min3A_537 = arith.minimumf %min3A_531, %slice3A_532 : vector<512x128xf32>
    %slice3A_538 = vector.extract_strided_slice %add3A_462 {offsets = [0, 1664], sizes = [512, 128], strides = [1, 1]} : vector<512x2048xf32> to vector<512x128xf32>
    %lt3A_539 = arith.cmpf olt, %slice3A_538, %min3A_537 : vector<512x128xf32>
    %jit3A_540 = arith.constant 1.300000e+01 : f32
    %broadcast_in_dim3A_541 = vector.broadcast %jit3A_540 : f32 to vector<512x128xf32>
    %select_n3A_542 = arith.select %lt3A_539, %broadcast_in_dim3A_541, %select_n3A_536 : vector<512x128xi1>, vector<512x128xf32>
    %min3A_543 = arith.minimumf %min3A_537, %slice3A_538 : vector<512x128xf32>
    %slice3A_544 = vector.extract_strided_slice %add3A_462 {offsets = [0, 1792], sizes = [512, 128], strides = [1, 1]} : vector<512x2048xf32> to vector<512x128xf32>
    %lt3A_545 = arith.cmpf olt, %slice3A_544, %min3A_543 : vector<512x128xf32>
    %jit3A_546 = arith.constant 1.400000e+01 : f32
    %broadcast_in_dim3A_547 = vector.broadcast %jit3A_546 : f32 to vector<512x128xf32>
    %select_n3A_548 = arith.select %lt3A_545, %broadcast_in_dim3A_547, %select_n3A_542 : vector<512x128xi1>, vector<512x128xf32>
    %min3A_549 = arith.minimumf %min3A_543, %slice3A_544 : vector<512x128xf32>
    %slice3A_550 = vector.extract_strided_slice %add3A_462 {offsets = [0, 1920], sizes = [512, 128], strides = [1, 1]} : vector<512x2048xf32> to vector<512x128xf32>
    %lt3A_551 = arith.cmpf olt, %slice3A_550, %min3A_549 : vector<512x128xf32>
    %jit3A_552 = arith.constant 1.500000e+01 : f32
    %broadcast_in_dim3A_553 = vector.broadcast %jit3A_552 : f32 to vector<512x128xf32>
    %select_n3A_554 = arith.select %lt3A_551, %broadcast_in_dim3A_553, %select_n3A_548 : vector<512x128xi1>, vector<512x128xf32>
    %min3A_555 = arith.minimumf %min3A_549, %slice3A_550 : vector<512x128xf32>
    %reduce_min3A_556 = arith.constant dense<0x7F800000> : vector<512xf32>
    %reduce_min3A_557 = vector.multi_reduction <minimumf>, %min3A_555, %reduce_min3A_556 [1] : vector<512x128xf32> to vector<512xf32>
    %broadcast_in_dim3A_558 = vector.shape_cast %reduce_min3A_557 : vector<512xf32> to vector<512x1xf32>
    %mul3A_559 = arith.constant 1.280000e+02 : f32
    %mul3A_560 = vector.broadcast %mul3A_559 : f32 to vector<512x128xf32>
    %mul3A_561 = arith.mulf %select_n3A_554, %mul3A_560 : vector<512x128xf32>
    %add3A_562 = arith.addf %mul3A_561, %convert_element_type3A_31 : vector<512x128xf32>
    %eq3A_563 = vector.broadcast %broadcast_in_dim3A_558 : vector<512x1xf32> to vector<512x128xf32>
    %eq3A_564 = arith.cmpf oeq, %min3A_555, %eq3A_563 : vector<512x128xf32>
    %jit3A_565 = arith.constant 1.000000e+09 : f32
    %broadcast_in_dim3A_566 = vector.broadcast %jit3A_565 : f32 to vector<512x128xf32>
    %select_n3A_567 = arith.select %eq3A_564, %add3A_562, %broadcast_in_dim3A_566 : vector<512x128xi1>, vector<512x128xf32>
    %reduce_min3A_568 = arith.constant dense<0x7F800000> : vector<512xf32>
    %reduce_min3A_569 = vector.multi_reduction <minimumf>, %select_n3A_567, %reduce_min3A_568 [1] : vector<512x128xf32> to vector<512xf32>
    %broadcast_in_dim3A_570 = vector.shape_cast %reduce_min3A_569 : vector<512xf32> to vector<512x1xf32>
    %convert_element_type3A_571 = arith.fptosi %broadcast_in_dim3A_570 : vector<512x1xf32> to vector<512x1xi32>
    %add3A_572 = arith.constant 6144 : i32
    %add3A_573 = vector.broadcast %add3A_572 : i32 to vector<512x1xi32>
    %add3A_574 = arith.addi %convert_element_type3A_571, %add3A_573 : vector<512x1xi32>
    %lt3A_575 = arith.cmpf olt, %broadcast_in_dim3A_558, %select_n3A_450 : vector<512x1xf32>
    %select_n3A_576 = arith.select %lt3A_575, %add3A_574, %select_n3A_434 : vector<512x1xi1>, vector<512x1xi32>
    %swap3A_577 = arith.constant 0 : index
    %swap3A_578 = arith.constant 0 : index
    %swap3A_579 = vector.load %arg7[%swap3A_577, %swap3A_578] : memref<512x1xi32, #tpu.memory_space<vmem>>, vector<512x1xi32>
    tpu.vector_store %arg7[%swap3A_577, %swap3A_578], %select_n3A_576 {strides = array<i32>} : memref<512x1xi32, #tpu.memory_space<vmem>>, vector<512x1xi32>,
    return
  }
  func.func @transform_0(%arg0: i32) -> (i32, i32) {
    %c0_i32 = arith.constant 0 : i32
    %c0_i32_0 = arith.constant 0 : i32
    return %arg0, %c0_i32 : i32, i32
  }
  func.func @transform_1(%arg0: i32) -> (i32, i32) {
    %c0_i32 = arith.constant 0 : i32
    %c0_i32_0 = arith.constant 0 : i32
    %c0_i32_1 = arith.constant 0 : i32
    return %c0_i32, %c0_i32_0 : i32, i32
  }
  func.func @transform_2(%arg0: i32) -> (i32, i32) {
    %c0_i32 = arith.constant 0 : i32
    %c0_i32_0 = arith.constant 0 : i32
    %c0_i32_1 = arith.constant 0 : i32
    return %c0_i32, %c0_i32_0 : i32, i32
  }
  func.func @transform_3(%arg0: i32) -> (i32, i32) {
    %c0_i32 = arith.constant 0 : i32
    %c0_i32_0 = arith.constant 0 : i32
    %c0_i32_1 = arith.constant 0 : i32
    return %c0_i32, %c0_i32_0 : i32, i32
  }
  func.func @transform_4(%arg0: i32) -> (i32, i32) {
    %c0_i32 = arith.constant 0 : i32
    %c0_i32_0 = arith.constant 0 : i32
    %c0_i32_1 = arith.constant 0 : i32
    return %c0_i32, %c0_i32_0 : i32, i32
  }
  func.func @transform_5(%arg0: i32) -> (i32, i32) {
    %c0_i32 = arith.constant 0 : i32
    %c0_i32_0 = arith.constant 0 : i32
    return %arg0, %c0_i32 : i32, i32
  }
  func.func @transform_6(%arg0: i32) -> (i32, i32) {
    %c0_i32 = arith.constant 0 : i32
    %c0_i32_0 = arith.constant 0 : i32
    return %arg0, %c0_i32 : i32, i32
  }
}

module attributes {stable_mosaic.version = 14 : i64} {
  func.func @_out_body(%arg0: i32, %arg1: memref<1024x128xf32, #tpu.memory_space<vmem>>, %arg2: memref<1024x64xf32, #tpu.memory_space<vmem>>, %arg3: memref<768x64xbf16, #tpu.memory_space<vmem>>, %arg4: memref<1x768xf32, #tpu.memory_space<vmem>>, %arg5: memref<1024x768xf32, #tpu.memory_space<vmem>>, %arg6: memref<1x1xf32, #tpu.memory_space<smem>>, %arg7: memref<1xf32, #tpu.memory_space<smem>>) attributes {dimension_semantics = [#tpu.dimension_semantics<arbitrary>], iteration_bounds = array<i64: 8>, scalar_prefetch = 0 : i64, scratch_operands = 1 : i64, tpu.core_type = #tpu.core_type<tc>, window_params = [{transform_indices = @transform_0, window_bounds = array<i64: 1024, 128>}, {transform_indices = @transform_1, window_bounds = array<i64: 1024, 64>}, {pipeline_mode = #tpu.pipeline_mode<synchronous>, transform_indices = @transform_2, window_bounds = array<i64: 768, 64>}, {pipeline_mode = #tpu.pipeline_mode<synchronous>, transform_indices = @transform_3, window_bounds = array<i64: 1, 768>}, {transform_indices = @transform_4, window_bounds = array<i64: 1024, 768>}, {transform_indices = @transform_5, window_bounds = array<i64: 1, 1>}]} {
    %get3A = arith.constant 0 : index
    %get3A_0 = arith.constant 0 : index
    %get3A_1 = vector.load %arg1[%get3A, %get3A_0] : memref<1024x128xf32, #tpu.memory_space<vmem>>, vector<1024x64xf32>
    %get3A_2 = arith.constant 0 : index
    %get3A_3 = arith.constant 0 : index
    %get3A_4 = vector.load %arg2[%get3A_2, %get3A_3] : memref<1024x64xf32, #tpu.memory_space<vmem>>, vector<1024x64xf32>
    %convert_element_type3A = arith.truncf %get3A_1 : vector<1024x64xf32> to vector<1024x64xbf16>
    %get3A_5 = arith.constant 0 : index
    %get3A_6 = arith.constant 0 : index
    %get3A_7 = vector.load %arg3[%get3A_5, %get3A_6] : memref<768x64xbf16, #tpu.memory_space<vmem>>, vector<768x64xbf16>
    %dot_general3A = arith.constant dense<0.000000e+00> : vector<1024x768xf32>
    %dot_general3A_8 = tpu.matmul %convert_element_type3A, %get3A_7, %dot_general3A {dimension_numbers = #tpu.dot_dimension_numbers<[1], [1], [0], [0], [0, 0, 1, 0], [], []>, transpose_lhs_hint = false} : vector<1024x64xbf16>, vector<768x64xbf16>, vector<1024x768xf32> -> vector<1024x768xf32>
    %get3A_9 = arith.constant 0 : index
    %get3A_10 = arith.constant 0 : index
    %get3A_11 = vector.load %arg4[%get3A_9, %get3A_10] : memref<1x768xf32, #tpu.memory_space<vmem>>, vector<1x768xf32>
    %add3A = vector.broadcast %get3A_11 : vector<1x768xf32> to vector<1024x768xf32>
    %add3A_12 = arith.addf %dot_general3A_8, %add3A : vector<1024x768xf32>
    %swap3A = arith.constant 0 : index
    %swap3A_13 = arith.constant 0 : index
    %swap3A_14 = vector.load %arg5[%swap3A, %swap3A_13] : memref<1024x768xf32, #tpu.memory_space<vmem>>, vector<1024x768xf32>
    tpu.vector_store %arg5[%swap3A, %swap3A_13], %add3A_12 {strides = array<i32>} : memref<1024x768xf32, #tpu.memory_space<vmem>>, vector<1024x768xf32>,
    %mul3A = arith.mulf %get3A_4, %get3A_1 : vector<1024x64xf32>
    %reduce_sum3A = arith.constant dense<0.000000e+00> : vector<1024xf32>
    %reduce_sum3A_15 = vector.multi_reduction <add>, %mul3A, %reduce_sum3A [1] : vector<1024x64xf32> to vector<1024xf32>
    %mul3A_16 = arith.mulf %get3A_4, %get3A_4 : vector<1024x64xf32>
    %reduce_sum3A_17 = arith.constant dense<0.000000e+00> : vector<1024xf32>
    %reduce_sum3A_18 = vector.multi_reduction <add>, %mul3A_16, %reduce_sum3A_17 [1] : vector<1024x64xf32> to vector<1024xf32>
    %sqrt3A = math.sqrt %reduce_sum3A_18 : vector<1024xf32>
    %mul3A_19 = arith.mulf %get3A_1, %get3A_1 : vector<1024x64xf32>
    %reduce_sum3A_20 = arith.constant dense<0.000000e+00> : vector<1024xf32>
    %reduce_sum3A_21 = vector.multi_reduction <add>, %mul3A_19, %reduce_sum3A_20 [1] : vector<1024x64xf32> to vector<1024xf32>
    %sqrt3A_22 = math.sqrt %reduce_sum3A_21 : vector<1024xf32>
    %mul3A_23 = arith.mulf %sqrt3A, %sqrt3A_22 : vector<1024xf32>
    %add3A_24 = arith.constant 1.000000e-03 : f32
    %add3A_25 = vector.broadcast %add3A_24 : f32 to vector<1024xf32>
    %add3A_26 = arith.addf %mul3A_23, %add3A_25 : vector<1024xf32>
    %div3A = arith.divf %reduce_sum3A_15, %add3A_26 : vector<1024xf32>
    %sub3A = arith.constant 1.000000e+00 : f32
    %sub3A_27 = vector.broadcast %sub3A : f32 to vector<1024xf32>
    %sub3A_28 = arith.subf %sub3A_27, %div3A : vector<1024xf32>
    %reduce_sum3A_29 = vector.shape_cast %sub3A_28 : vector<1024xf32> to vector<1x1024xf32>
    %reduce_sum3A_30 = arith.constant dense<0.000000e+00> : vector<1xf32>
    %reduce_sum3A_31 = vector.multi_reduction <add>, %reduce_sum3A_29, %reduce_sum3A_30 [1] : vector<1x1024xf32> to vector<1xf32>
    %reduce_sum3A_32 = vector.shape_cast %reduce_sum3A_31 : vector<1xf32> to vector<1x1xf32>
    %reduce_sum3A_33 = vector.extract %reduce_sum3A_32[0, 0] : f32 from vector<1x1xf32>
    %eq3A = arith.constant 0 : i32
    %eq3A_34 = arith.cmpi eq, %arg0, %eq3A : i32
    %convert_element_type3A_35 = arith.extui %eq3A_34 : i1 to i32
    %cond3A = arith.constant 0 : i32
    %cond3A_36 = arith.cmpi ne, %convert_element_type3A_35, %cond3A : i32
    scf.if %cond3A_36 {
      %swap3A_47 = arith.constant 0.000000e+00 : f32
      %swap3A_48 = arith.constant 0 : index
      %swap3A_49 = memref.load %arg7[%swap3A_48] : memref<1xf32, #tpu.memory_space<smem>>
      memref.store %swap3A_47, %arg7[%swap3A_48] : memref<1xf32, #tpu.memory_space<smem>>
    } else {
    }
    %get3A_37 = arith.constant 0 : index
    %get3A_38 = memref.load %arg7[%get3A_37] : memref<1xf32, #tpu.memory_space<smem>>
    %add3A_39 = arith.addf %get3A_38, %reduce_sum3A_33 : f32
    %swap3A_40 = arith.constant 0 : index
    %swap3A_41 = memref.load %arg7[%swap3A_40] : memref<1xf32, #tpu.memory_space<smem>>
    memref.store %add3A_39, %arg7[%swap3A_40] : memref<1xf32, #tpu.memory_space<smem>>
    %eq3A_42 = arith.constant 7 : i32
    %eq3A_43 = arith.cmpi eq, %arg0, %eq3A_42 : i32
    %convert_element_type3A_44 = arith.extui %eq3A_43 : i1 to i32
    %cond3A_45 = arith.constant 0 : i32
    %cond3A_46 = arith.cmpi ne, %convert_element_type3A_44, %cond3A_45 : i32
    scf.if %cond3A_46 {
      %get3A_47 = arith.constant 0 : index
      %get3A_48 = memref.load %arg7[%get3A_47] : memref<1xf32, #tpu.memory_space<smem>>
      %div3A_49 = arith.constant 8.192000e+03 : f32
      %div3A_50 = arith.divf %get3A_48, %div3A_49 : f32
      %swap3A_51 = arith.constant 0 : index
      %swap3A_52 = arith.constant 0 : index
      %swap3A_53 = memref.load %arg6[%swap3A_51, %swap3A_52] : memref<1x1xf32, #tpu.memory_space<smem>>
      memref.store %div3A_50, %arg6[%swap3A_51, %swap3A_52] : memref<1x1xf32, #tpu.memory_space<smem>>
    } else {
    }
    return
  }
  func.func @transform_0(%arg0: i32) -> (i32, i32) {
    %c0_i32 = arith.constant 0 : i32
    %c0_i32_0 = arith.constant 0 : i32
    return %arg0, %c0_i32 : i32, i32
  }
  func.func @transform_1(%arg0: i32) -> (i32, i32) {
    %c0_i32 = arith.constant 0 : i32
    %c0_i32_0 = arith.constant 0 : i32
    return %arg0, %c0_i32 : i32, i32
  }
  func.func @transform_2(%arg0: i32) -> (i32, i32) {
    %c0_i32 = arith.constant 0 : i32
    %c0_i32_0 = arith.constant 0 : i32
    %c0_i32_1 = arith.constant 0 : i32
    return %c0_i32, %c0_i32_0 : i32, i32
  }
  func.func @transform_3(%arg0: i32) -> (i32, i32) {
    %c0_i32 = arith.constant 0 : i32
    %c0_i32_0 = arith.constant 0 : i32
    %c0_i32_1 = arith.constant 0 : i32
    return %c0_i32, %c0_i32_0 : i32, i32
  }
  func.func @transform_4(%arg0: i32) -> (i32, i32) {
    %c0_i32 = arith.constant 0 : i32
    %c0_i32_0 = arith.constant 0 : i32
    return %arg0, %c0_i32 : i32, i32
  }
  func.func @transform_5(%arg0: i32) -> (i32, i32) {
    %c0_i32 = arith.constant 0 : i32
    %c0_i32_0 = arith.constant 0 : i32
    %c0_i32_1 = arith.constant 0 : i32
    return %c0_i32, %c0_i32_0 : i32, i32
  }
}

</mosaic_0001>

<sc_bundles>
// kernel: kernel.5.cloned.1.call-start
scs
__scs_entry_jumppad:
0x0: {  	(pc) =	sbr.rel $0x88, $3  }
0x1: {  	(tag) =	ssettag $0x0;
	lr =	simm.s32 $0x1  }
0x2: {  	[smem:$0x3F9B] =	sst lr;
	_ =	strace $0xD0000000  }
0x3: {  	_ = 	snop  }
0x4: {  	_ = 	snop  }
0x5: {  	_ = 	snop  }
0x6: {  	_ = 	snop  }
0x7: {  	_ = 	snop  }
__scs_overlays_trampoline_lowered:
0x8: {  	[smem:$0x3FAA] =	sst s0  }
0x9: {  	[smem:$0x3FAB] =	sst s1  }
0xa: {  	[smem:$0x3FAC] =	sst s2  }
0xb: {  	[smem:$0x3FAD] =	sst s3  }
0xc: {  	[smem:$0x3FAE] =	sst s4  }
0xd: {  	[smem:$0x3FAF] =	sst s5  }
0xe: {  	[smem:$0x3FB0] =	sst s6  }
0xf: {  	[smem:$0x3FB1] =	sst s7  }
0x10: {  	[smem:$0x3FB2] =	sst s8  }
0x11: {  	[smem:$0x3FB3] =	sst s9;
	s0 =	simm.s32 @!p0 $0x0  }
0x12: {  	s1 =	sld [smem:$0x3F99];
	s0 =	simm.s32 @p0 $0x1  }
0x13: {  	[smem:$0x3FB4] =	sst s0;
	s0 =	simm.s32 @!p1 $0x0  }
0x14: {  	s2 =	sld [smem:$0x3F98];
	s0 =	simm.s32 @p1 $0x1  }
0x15: {  	[smem:$0x3FB5] =	sst s0;
	s0 =	simm.s32 @!p2 $0x0  }
0x16: {  	s3 =	sld [smem:$0x3FDB];
	s0 =	simm.s32 @p2 $0x1  }
0x17: {  	s4 =	simm.s32 $0x1BF5;
	[smem:$0x3FB7] =	sst s0  }
0x18: {  	s0 =	sld [smem:$0x3F9A];
	_ =	swait.ge [sflag:s4], $0x0  }
0x19: {  	s7 =	sld [smem:$0x3F9B]  }
0x1a: {  	s8 =	sadd.s32 $0xFFFFE003, lr  }
0x1b: {  	s9 =	sadd.s32 $0xFFFFFEF7, lr;
	s5 =	simm.s32 $0xFFFFFFFF;
	p2 =	slt.u32 s8, $0xFFFFF086  }
0x1c: {  	p1 =	slt.u32 s9, $0xF7A;
	s5 =	simm.s32 @!p2 $0x0  }
0x1d: {  	s5 =	simm.s32 @p1 $0x1;
	p0 =	seq.s32 s7, s2  }
0x1e: {  	s7 =	smul.u32 @!p0 $0xF7A, s2;
	p2 =	seq.s32 @!p0 s5, $0x0  }
0x1f: {  	s9 =	smul.u32 $0xF7A, s1;
	s8 =	simm.s32 @!p0 $0x1BF5;
	p2 =	por !p2, p0  }
0x20: {  	[sflag:s8] =	ssyncset.s32 @!p0 $0xFFFFF086;
	s6 =	sadd.s32 @!p0 s3, s7;
	s7 =	simm.s32 @!p0 $0x108  }
0x21: {  	s3 =	sadd.s32 s3, s9;
	s6 =	sadd.s32 @!p0 $0x88, s6;
	s7 =	simm.s32 @p2 $0x1082  }
0x22: {  	[simem:s7], [sflag:s8] =	dma.local @!p0 [hbm:s6], $0xF7A  }
0x23: {  	s9 =	sor.u32 $0xD0000000, s2;
	s6 =	simm.s32 $0x108;
	_ =	swait.ge @!p0 [sflag:s8], $0x0  }
0x24: {  	s3 =	sadd.s32 $0x88, s3;
	s6 =	simm.s32 @!p1 $0x1082;
	[sflag:s4] =	ssyncset.s32 $0xFFFFF086  }
0x25: {  	[simem:s6], [sflag:s4] =	dma.local [hbm:s3], $0xF7A  }
0x26: {  	[smem:$0x3F9B] =	sst s1;
	(tag) =	ssettag s2;
	_ =	strace s9  }
0x27: {  	s1 =	sld [smem:$0x3FAB]  }
0x28: {  	s2 =	sld [smem:$0x3FAC]  }
0x29: {  	s4 =	sld [smem:$0x3FAE]  }
0x2a: {  	p0 =	seq.s32 s5, $0x0;
	s5 =	sld [smem:$0x3FAF]  }
0x2b: {  	s6 =	sld [smem:$0x3FB0]  }
0x2c: {  	s7 =	sld [smem:$0x3FB1]  }
0x2d: {  	s3 =	simm.s32 $0x108;
	s8 =	sld [smem:$0x3FB2]  }
0x2e: {  	s3 =	simm.s32 @!p0 $0x1082;
	s9 =	sld [smem:$0x3FB3]  }
0x2f: {  	lr =	sadd.s32 s0, s3;
	s0 =	sld [smem:$0x3FAA]  }
0x30: {  	s3 =	sld [smem:$0x3FAD]  }
0x31: {  	[smem:$0x3FB6] =	sst s10  }
0x32: {  	s10 =	sld [smem:$0x3FB4];
	_ =	sdelay $0x3  }
0x33: {  	p0 =	seq.s32 s10, $0x1;
	s10 =	sld [smem:$0x3FB6];
	_ =	sdelay $0x3  }
0x34: {  	[smem:$0x3FB6] =	sst s10  }
0x35: {  	s10 =	sld [smem:$0x3FB5];
	_ =	sdelay $0x3  }
0x36: {  	p1 =	seq.s32 s10, $0x1;
	s10 =	sld [smem:$0x3FB6];
	_ =	sdelay $0x3  }
0x37: {  	[smem:$0x3FB6] =	sst s10  }
0x38: {  	s10 =	sld [smem:$0x3FB7]  }
0x39: {  	_ = 	snop;
	(pc) =	sbr.ind lr, $3  }
0x3a: {  	_ = 	snop  }
0x3b: {  	_ = 	snop  }
0x3c: {  	p2 =	seq.s32 s10, $0x1;
	s10 =	sld [smem:$0x3FB6]  }
0x3d: {  	_ =	shalt  }
0x3e: {  	_ =	shalt  }
0x3f: {  	_ =	shalt  }
0x40: {  	_ =	shalt  }
0x41: {  	_ =	shalt  }
0x42: {  	_ =	shalt  }
0x43: {  	_ =	shalt  }
0x44: {  	_ =	shalt  }
0x45: {  	_ =	shalt  }
0x46: {  	_ =	shalt  }
0x47: {  	_ =	shalt  }
0x48: {  	_ =	shalt  }
0x49: {  	_ =	shalt  }
0x4a: {  	_ =	shalt  }
0x4b: {  	_ =	shalt  }
0x4c: {  	_ =	shalt  }
0x4d: {  	_ =	shalt  }
0x4e: {  	_ =	shalt  }
0x4f: {  	_ =	shalt  }
0x50: {  	_ =	shalt  }
0x51: {  	_ =	shalt  }
0x52: {  	_ =	shalt  }
0x53: {  	_ =	shalt  }
0x54: {  	_ =	shalt  }
0x55: {  	_ =	shalt  }
0x56: {  	_ =	shalt  }
0x57: {  	_ =	shalt  }
0x58: {  	_ =	shalt  }
0x59: {  	_ =	shalt  }
0x5a: {  	_ =	shalt  }
0x5b: {  	_ =	shalt  }
0x5c: {  	_ =	shalt  }
0x5d: {  	_ =	shalt  }
0x5e: {  	_ =	shalt  }
0x5f: {  	_ =	shalt  }
0x60: {  	_ =	shalt  }
0x61: {  	_ =	shalt  }
0x62: {  	_ =	shalt  }
0x63: {  	_ =	shalt  }
0x64: {  	_ =	shalt  }
0x65: {  	_ =	shalt  }
0x66: {  	_ =	shalt  }
0x67: {  	_ =	shalt  }
0x68: {  	_ =	shalt  }
0x69: {  	_ =	shalt  }
0x6a: {  	_ =	shalt  }
0x6b: {  	_ =	shalt  }
0x6c: {  	_ =	shalt  }
0x6d: {  	_ =	shalt  }
0x6e: {  	_ =	shalt  }
0x6f: {  	_ =	shalt  }
0x70: {  	_ =	shalt  }
0x71: {  	_ =	shalt  }
0x72: {  	_ =	shalt  }
0x73: {  	_ =	shalt  }
0x74: {  	_ =	shalt  }
0x75: {  	_ =	shalt  }
0x76: {  	_ =	shalt  }
0x77: {  	_ =	shalt  }
0x78: {  	_ =	shalt  }
0x79: {  	_ =	shalt  }
0x7a: {  	_ =	shalt  }
0x7b: {  	_ =	shalt  }
0x7c: {  	_ =	shalt  }
0x7d: {  	_ =	shalt  }
0x7e: {  	_ =	shalt  }
0x7f: {  	_ =	shalt  }
0x80: {  	_ =	shalt  }
0x81: {  	_ =	shalt  }
0x82: {  	_ =	shalt  }
0x83: {  	_ =	shalt  }
0x84: {  	_ =	shalt  }
0x85: {  	_ =	shalt  }
0x86: {  	_ =	shalt  }
0x87: {  	_ =	shalt  }
.Lfunc_end0:
.L_simem_size_0:
called_computation_lowered:
.L_overlay_start_0:
0x88: {  	s2 =	sld [smem:$0x3FD9]  }
0x89: {  	s3 =	sld [smem:$0x3FFE];
	_ =	sdelay $0x1  }
0x8a: {  	s1 =	srdreg.scid  }
0x8b: {  	s0 =	sand.u32 $0x1, s1  }
0x8c: {  	s14 =	sshll.u32 s0, $0xA;
	s2 =	sadd.s32 s3, s2  }
0x8d: {  	s2 =	sadd.s32 s2, s14  }
0x8e: {  	[smem:$0x3FC2] =	sst s2  }
0x8f: {  	_ = 	snop  }
0x90: {  	s2 =	sld [smem:$0x3FD0];
	_ =	sdelay $0x2  }
0x91: {  	s15 =	simm.s32 $0xA;
	s4 =	simm.s32 $0x10  }
0x92: {  	[smem:s4], [sflag:s15] =	dma.local [hbm:s2], $0x1  }
0x93: {  	_ =	swait.eq [sflag:s15], $0x1  }
0x94: {  	[sflag:s15] =	ssyncset.done $0x0  }
0x95: {  	[sflag:s15] =	ssyncadd.s32 $0xFFFFFFFF  }
0x96: {  	s16 =	sld [smem:$0x10];
	(tm) =	ssettm $0x1  }
0x97: {  	s17 =	sld [smem:$0x3FFB];
	_ =	sdelay $0x3  }
0x98: {  	_ =	strace s17  }
0x99: {  	s3 =	sld [smem:$0x3FFC];
	_ =	sdelay $0x3  }
0x9a: {  	_ =	strace s3  }
0x9b: {  	s3 =	sld [smem:$0x3FFD];
	_ =	sdelay $0x3  }
0x9c: {  	_ =	strace s3  }
0x9d: {  	_ =	strace $0x8FFFFFFF  }
0x9e: {  	s18 =	sld [smem:$0x3FDB];
	_ =	sdelay $0x1  }
0x9f: {  	s19 =	simm.s32 $_scs_section_size  }
0xa0: {  	s5 =	simm.s32 $_size__tile_overlayer_lowered;
	s6 =	simm.s32 $_tile_overlayer_lowered  }
0xa1: {  	s22 =	simm.s32 $0x1BFF;
	s21 =	sshll.u32 s6, $0x1;
	s3 =	sadd.s32 s19, s18  }
0xa2: {  	s7 =	simm.s32 $0x0;
	s20 =	sshll.u32 s5, $0x1;
	s5 =	sadd.s32 s21, s3  }
0xa3: {  	[timem:s7], [sflag:s22] =	dma.local [hbm:s5], s20  }
0xa4: {  	_ =	swait.ge [sflag:s22], s20  }
0xa5: {  	s4 =	ssub.s32 $0x0, s20;
	[sflag:s22] =	ssyncset.done $0x0  }
0xa6: {  	[sflag:s22] =	ssyncadd.s32 s4;
	_ =	sdelay $0x1  }
0xa7: {  	s23 =	simm.s32 $0x1B8B  }
0xa8: {  	_ =	swait.ge [sflag:s23], $0x1  }
0xa9: {  	[sflag:s23] =	ssyncset.done $0x0  }
0xaa: {  	s25 =	simm.s32 $0x1B8E;
	s24 =	sld [smem:$0x3FFE];
	[sflag:s23] =	ssyncadd.s32 $0xFFFFFFFF  }
0xab: {  	s26 =	simm.s32 $execute0_lowered;
	[smem:$0x3FD2] =	sst s25  }
0xac: {  	s5 =	sshll.u32 s26, $0x1;
	_ =	strace $0x80000046;
	[dreg:$0x1] =	wrdreg $0xFFFFFFFF  }
0xad: {  	s28 =	simm.s32 $_size_execute0_lowered;
	s3 =	sadd.s32 s3, s5;
	[dreg:$0x0] =	wrdreg $0x0  }
0xae: {  	s5 =	sshll.u32 s28, $0x1;
	[dreg:$0x2] =	wrdreg s3  }
0xaf: {  	[dreg:$0x3] =	wrdreg s5  }
0xb0: {  	[dreg:$0x4] =	wrdreg $0xC0  }
0xb1: {  	_ =	task [dreg:s7], $0x5FFFF  }
0xb2: {  	[dreg:$0x1] =	wrdreg $0xFFFFFFFF  }
0xb3: {  	[dreg:$0x0] =	wrdreg $0x60  }
0xb4: {  	[dreg:$0x2] =	wrdreg s16  }
0xb5: {  	[dreg:$0x3] =	wrdreg s24  }
0xb6: {  	[dreg:$0x4] =	wrdreg $0x9  }
0xb7: {  	_ =	task.clear_ibuf [dreg:s7], $0x5FFFF;
	_ =	strace $0x90000046  }
0xb8: {  	s29 =	simm.s32 $0x9;
	_ =	strace $0x80000048  }
0xb9: {  	_ =	swait.ge [sflag:s29], $0x1  }
0xba: {  	[sflag:s29] =	ssyncadd.s32 $0xFFFFFFFF  }
0xbb: {  	_ =	strace $0x90000048  }
0xbc: {  	_ =	sfence  }
0xbd: {  	s30 =	sld [smem:$0x0];
	_ =	sdelay $0x2  }
0xbe: {  	s31 =	sshll.u32 s1, $0xD;
	s1 =	sshrl.u32 s1, $0x2  }
0xbf: {  	s3 =	sand.u32 $0x4000, s31;
	s1 =	sadd.s32 s1, s30  }
0xc0: {  	s0 =	sor.u32 s3, s0;
	s1 =	sshll.u32 s1, $0x11  }
0xc1: {  	s0 =	sor.u32 s1, s0  }
0xc2: {  	s0 =	sadd.s32 $0x8F2B, s0  }
0xc3: {  	[sflag:s0] =	ssyncadd.remote.s32 $0x1  }
0xc4: {  	_ =	sfence.sel $0xFFFF  }
0xc5: {  	[dreg:$0x0] =	wrdreg $0xFFFFFFFF;
	(pc) =	sbr.abs _section_cstart, $3  }
0xc6: {  	[dreg:$0x1] =	wrdreg $0xFFFFFFFF  }
0xc7: {  	_ =	task.clear_ibuf [dreg:s7], $0x2FFFF;
	_ =	strace $0x9FFFFFFF  }
0xc8: {  	(tm) =	ssettm $0x7FFFFFFF  }
0xc9: {  	_ =	shalt  }
tec
execute0_lowered:
.L_overlay_start_1:
0x0: {  	(tag) =	ssettag $0x1  }
0x1: {  	s1 =	srdreg.scid  }
0x2: {  	s0 =	stileid.u32;
	s10 =	sand.u32 $0x1, s1  }
0x3: {  	s2 =	rddreg [dreg:$0x0];
	s29 =	sshll.u32 s0, $0x9;
	s3 =	sshll.u32 s10, $0x8  }
0x4: {  	s11 =	rddreg [dreg:$0x1];
	s12 =	sor.u32 s3, s29  }
0x5: {  	s1 =	rddreg [dreg:$0x2];
	s3 =	simm.s32 $0x0;
	s4 =	sshrl.u32 s12, $0x3  }
0x6: {  	[smem:$0x7FF] =	sst s3;
	s4 =	sadd.s32 s4, s11  }
0x7: {  	_ =	strace $0x80000047;
	s5 =	sadd.s32 $0xC00, s4;
	s4 =	simm.s32 $0x2  }
0x8: {  	[tilespmem:s3], [sflag:$0x2] =	stream.linear.gather [hbm4b:s5+s3], $0x100, $0x38;
	[tilespmem:$0x8100] =	vst v63  }
0x9: {  	_ =	swait.ge [sflag:s4], $0x100  }
0xa: {  	[sflag:s4] =	ssyncset.done $0x0  }
0xb: {  	s6 =	simm.s32 $0x80;
	s7 =	simm.s32 $0x100;
	[sflag:s4] =	ssyncadd.s32 $0xFFFFFF00  }
0xc: {  	[tilespmem:s7], [sflag:$0x1] =	stream.indirect.gather [hbm4b:s2+s6], $0x80, s3, s6, $0xb8;
	[tilespmem:$0x8100] =	vst v63  }
0xd: {  	s8 =	simm.s32 $0x4100;
	s9 =	simm.s32 $0x1;
	s10 =	ssub.s32 $0x2, s10  }
0xe: {  	[tilespmem:s8], [sflag:$0x1] =	stream.indirect.gather [hbm4b:s2+s6], $0x80, s6, s6, $0xb8;
	[tilespmem:$0x8100] =	vst v63  }
0xf: {  	s13 =	sshrl.u32 s10, $0x1;
	_ =	swait.ge [sflag:s9], $0x4000  }
0x10: {  	s30 =	ssub.s32 s10, s13;
	[sflag:s9] =	ssyncset.done $0x0  }
0x11: {  	s31 =	smax.u32 s30, $0x1;
	[sflag:s9] =	ssyncadd.s32 $0xFFFFC000  }
0x12: {  	s12 =	sshll.u32 s12, $0x4;
	p0 =	sne.s32 s31, $0x1;
	_ =	swait.ge [sflag:s9], $0x4000  }
.Ltmp0:
0x13: {  	s11 =	sadd.s32 s12, s11;
	[sflag:s9] =	ssyncset.done $0x0;
	(pc) =	sbr.rel @!p0 .LBB2_2-.Ltmp0, $4  }
0x14: {  	s10 =	sadd.s32 $0x1000, s11;
	[sflag:s9] =	ssyncadd.s32 $0xFFFFC000  }
0x15: {  	[hbm4b:s10+s3] =	stream.linear.scatter [tilespmem:s7], [sflag:$0x2], $0x8000, $0x38;
	[tilespmem:$0x8100] =	vst v63  }
0x16: {  	_ =	swait.ge [sflag:s4], $0x8000  }
0x17: {  	s11 =	sadd.s32 $0xFFFFFFFF, s31;
	[sflag:s4] =	ssyncset.done $0x0  }
.LBB2_1:
0x18: {  	p0 =	sne.s32 s11, $0x1;
	s11 =	sadd.s32 $0xFFFFFFFF, s11;
	[sflag:s4] =	ssyncadd.s32 $0xFFFF8000  }
0x19: {  	[tilespmem:s3], [sflag:$0x2] =	stream.linear.gather [hbm4b:s5+s3], $0x100, $0x38;
	[tilespmem:$0x8100] =	vst v63  }
0x1a: {  	_ =	swait.ge [sflag:s4], $0x100  }
0x1b: {  	[sflag:s4] =	ssyncset.done $0x0  }
0x1c: {  	[sflag:s4] =	ssyncadd.s32 $0xFFFFFF00  }
0x1d: {  	[tilespmem:s7], [sflag:$0x1] =	stream.indirect.gather [hbm4b:s2+s6], $0x80, s3, s6, $0xb8;
	[tilespmem:$0x8100] =	vst v63  }
0x1e: {  	_ = 	snop  }
0x1f: {  	[tilespmem:s8], [sflag:$0x1] =	stream.indirect.gather [hbm4b:s2+s6], $0x80, s6, s6, $0xb8;
	[tilespmem:$0x8100] =	vst v63  }
0x20: {  	_ =	swait.ge [sflag:s9], $0x4000  }
0x21: {  	[sflag:s9] =	ssyncset.done $0x0  }
0x22: {  	[sflag:s9] =	ssyncadd.s32 $0xFFFFC000  }
0x23: {  	_ =	swait.ge [sflag:s9], $0x4000  }
.Ltmp1:
0x24: {  	[sflag:s9] =	ssyncset.done $0x0;
	(pc) =	sbr.rel @p0 .LBB2_1-.Ltmp1, $4  }
0x25: {  	[sflag:s9] =	ssyncadd.s32 $0xFFFFC000  }
0x26: {  	[hbm4b:s10+s3] =	stream.linear.scatter [tilespmem:s7], [sflag:$0x2], $0x8000, $0x38;
	[tilespmem:$0x8100] =	vst v63  }
0x27: {  	_ =	swait.ge [sflag:s4], $0x8000  }
0x28: {  	[sflag:s4] =	ssyncset.done $0x0  }
.LBB2_2:
0x29: {  	[sflag:s4] =	ssyncadd.s32 $0xFFFF8000  }
0x2a: {  	_ =	sfence.sel $0x180000  }
0x2b: {  	[bflag:$0x0] =	sbarrier.arrive $0xFFFF  }
0x2c: {  	p0 =	sne.s32 s0, $0x0;
	_ =	strace $0x90000047  }
0x2d: {  	s0 =	sadd.s32 @!p0 $0x100000, s1;
	[bflag:$0x2] =	sbarrier.arrive $0xFFFF  }
0x2e: {  	[sflag:s0] =	ssyncadd.tile.s32 @!p0 $0x1;
	_ =	shalt  }
.Lfunc_end2:
_tile_overlayer_lowered:
.L_overlay_start_2:
0x2f: {  	(tag) =	ssettag $0x2  }
0x30: {  	s0 =	rddreg [dreg:$0x0];
	s2 =	stileid.u32  }
0x31: {  	s1 =	rddreg [dreg:$0x1];
	p0 =	sne.s32 s2, $0x0  }
0x32: {  	s3 =	rddreg [dreg:$0x2];
	[bflag:$0x3] =	sbarrier.arrive $0xFFFF;
	s2 =	simm.s32 @!p0 $0x1C02  }
0x33: {  	[timem:s3], [sflag:s2] =	dma.local @!p0 [hbm:s0], s1  }
0x34: {  	s0 =	simm.s32 @!p0 $0x2  }
0x35: {  	_ =	swait.ge @!p0 [sflag:s0], s1  }
0x36: {  	s1 =	ssub.s32 @!p0 $0x0, s1;
	[sflag:s0] =	ssyncset.done @!p0 $0x0  }
0x37: {  	[sflag:s0] =	ssyncadd.s32 @!p0 s1  }
0x38: {  	[bflag:$0x3] =	sbarrier.arrive $0xFFFF  }
0x39: {  	_ =	shalt  }

</sc_bundles>
